<compile_context>
chip_gen: v7x
topology: tpu7x:2x2x1
jax: 0.10.2.dev20260603
libtpu: 0.0.44.dev20260713+nightly
codegen_flags: <defaults>
</compile_context>

<pallas_src>
import functools

import jax
import jax.numpy as jnp
from jax import lax
from jax.experimental import pallas as pl
from jax.experimental.pallas import tpu as pltpu
from jax.experimental.pallas import tpu_sc as plsc

_TILE_V = 8192
_CHUNK = 512
_TILE_V2 = 4352
_SPLIT = 57344
_RBLK = 8192


def _pair_relayout(tableT):
    e2, vocab = tableT.shape
    nb = _SPLIT // _RBLK
    last = pl.cdiv(vocab, _RBLK) - 1

    def body(in1_ref, in2_ref, out_ref):
        out_ref[...] = jnp.concatenate(
            [in1_ref[...], in2_ref[...]], axis=0).T

    return pl.pallas_call(
        body,
        grid=(nb,),
        in_specs=[
            pl.BlockSpec((e2, _RBLK), lambda i: (0, i)),
            pl.BlockSpec((e2, _RBLK),
                         lambda i: (0, jnp.minimum(i + nb, last))),
        ],
        out_specs=pl.BlockSpec((_RBLK, 2 * e2), lambda i: (i, 0)),
        out_shape=jax.ShapeDtypeStruct((_SPLIT, 2 * e2), jnp.float32),
    )(tableT, tableT)


def _gather_rows_sc(table2, idx):
    num_rows = idx.shape[0]
    depth = table2.shape[1]
    info = plsc.get_sparse_core_info()
    num_workers = info.num_cores * info.num_subcores
    rows_per_worker = num_rows // num_workers
    mesh = plsc.VectorSubcoreMesh(core_axis_name="c", subcore_axis_name="s")

    @functools.partial(
        pl.kernel,
        out_type=jax.ShapeDtypeStruct((num_rows, depth), table2.dtype),
        mesh=mesh,
        scratch_types=[
            pltpu.VMEM((rows_per_worker,), jnp.int32),
            pltpu.VMEM((rows_per_worker, depth), table2.dtype),
            pltpu.SemaphoreType.DMA,
        ],
    )
    def gather_kernel(table_hbm, idx_hbm, out_hbm, idx_v, rows_v, sem):
        wid = lax.axis_index("s") * info.num_cores + lax.axis_index("c")
        base = wid * rows_per_worker
        pltpu.sync_copy(idx_hbm.at[pl.ds(base, rows_per_worker)], idx_v)
        pltpu.async_copy(table_hbm.at[idx_v], rows_v, sem).wait()
        pltpu.sync_copy(rows_v, out_hbm.at[pl.ds(base, rows_per_worker)])

    return gather_kernel(table2, idx)


def _bdot(a, b):
    return lax.dot_general(
        a.astype(jnp.bfloat16),
        b.astype(jnp.bfloat16),
        (((1,), (1,)), ((), ())),
        preferred_element_type=jnp.float32,
    )


def _pass1_body(vocab, batch, rows_ref, par_ref, w1d_ref, b1_ref, w2_ref,
                b2_ref, h_ref, c_ref, w2b_ref, l_ref):
    i = pl.program_id(0)
    nv = pl.num_programs(0)
    half = rows_ref.shape[1] // 2
    pair_w = rows_ref.shape[1]

    @pl.when(i == 0)
    def _init():
        lane_hi = lax.broadcasted_iota(jnp.int32, rows_ref.shape, 1) >= half
        want_hi = par_ref[...] == 1
        sel = jnp.where(lane_hi == want_hi, rows_ref[...], 0.0)
        acc = b1_ref[...].astype(jnp.float32)
        for j in range(4):
            acc = acc + _bdot(sel[j * batch:(j + 1) * batch, :],
                              w1d_ref[pl.ds(j * pair_w, pair_w), :])
        h_ref[...] = jnp.maximum(acc, 0.0)
        l_ref[...] = jnp.zeros_like(l_ref)

    hb = h_ref[...].astype(jnp.bfloat16)
    nc = _TILE_V // _CHUNK

    def chunk_sums(masked):
        parts = []
        for k in range(nc):
            w2kb = w2_ref[pl.ds(k * _CHUNK, _CHUNK), :].astype(jnp.bfloat16)
            w2b_ref[pl.ds(k * _CHUNK, _CHUNK), :] = w2kb
            lg = (lax.dot_general(hb, w2kb,
                                  (((1,), (1,)), ((), ())),
                                  preferred_element_type=jnp.float32)
                  + b2_ref[:, k * _CHUNK:(k + 1) * _CHUNK])
            e = jnp.exp(lg)
            if masked:
                col = (i * _TILE_V + k * _CHUNK
                       + lax.broadcasted_iota(jnp.int32, (1, _CHUNK), 1))
                e = jnp.where(col < vocab, e, 0.0)
            parts.append(jnp.sum(e, axis=1, keepdims=True))
        s = parts[0]
        for p in parts[1:]:
            s = s + p
        return s

    @pl.when(i < nv - 1)
    def _accum():
        l_ref[...] += chunk_sums(False)

    @pl.when(i == nv - 1)
    def _finish():
        c_ref[...] = jnp.log(l_ref[...] + chunk_sums(True))


def _pass2_body(h_ref, w2_ref, b2_ref, c_ref, out_ref):
    b2_col = b2_ref[...].T
    logits_t = _bdot(w2_ref[...], h_ref[...]) + b2_col
    out_ref[...] = logits_t - c_ref[...]


def _mlp_log_softmax(rows, par, W1d, b1r, W2, b2r):
    nrows, pair_w = rows.shape
    batch = nrows // 4
    hidden = W1d.shape[1]
    vocab = W2.shape[0]
    nv = pl.cdiv(vocab, _TILE_V)

    h, c, w2bf = pl.pallas_call(
        functools.partial(_pass1_body, vocab, batch),
        grid=(nv,),
        in_specs=[
            pl.BlockSpec((nrows, pair_w), lambda i: (0, 0)),
            pl.BlockSpec((nrows, 1), lambda i: (0, 0)),
            pl.BlockSpec((4 * pair_w, hidden), lambda i: (0, 0)),
            pl.BlockSpec((1, hidden), lambda i: (0, 0)),
            pl.BlockSpec((_TILE_V, hidden), lambda i: (i, 0)),
            pl.BlockSpec((1, _TILE_V), lambda i: (0, i)),
        ],
        out_specs=[
            pl.BlockSpec((batch, hidden), lambda i: (0, 0)),
            pl.BlockSpec((batch, 1), lambda i: (0, 0)),
            pl.BlockSpec((_TILE_V, hidden), lambda i: (i, 0)),
        ],
        out_shape=[
            jax.ShapeDtypeStruct((batch, hidden), jnp.float32),
            jax.ShapeDtypeStruct((batch, 1), jnp.float32),
            jax.ShapeDtypeStruct((vocab, hidden), jnp.bfloat16),
        ],
        scratch_shapes=[
            pltpu.VMEM((batch, 1), jnp.float32),
        ],
    )(rows, par, W1d, b1r, W2, b2r)

    nv2 = pl.cdiv(vocab, _TILE_V2)
    out_t = pl.pallas_call(
        _pass2_body,
        grid=(nv2,),
        in_specs=[
            pl.BlockSpec((batch, hidden), lambda i: (0, 0)),
            pl.BlockSpec((_TILE_V2, hidden), lambda i: (i, 0)),
            pl.BlockSpec((1, _TILE_V2), lambda i: (0, i)),
            pl.BlockSpec((1, batch), lambda i: (0, 0)),
        ],
        out_specs=pl.BlockSpec((_TILE_V2, batch), lambda i: (i, 0)),
        out_shape=jax.ShapeDtypeStruct((vocab, batch), jnp.float32),
        compiler_params=pltpu.CompilerParams(
            vmem_limit_bytes=50 * 1024 * 1024),
    )(h, w2bf, b2r, c.reshape(1, -1))
    return out_t.T


def kernel(x, table, W1, b1, W2, b2):
    batch, ctx = x.shape
    embed = table.shape[1]
    idx_t = x.T.reshape(-1).astype(jnp.int32)
    hi = (idx_t >= _SPLIT).astype(jnp.int32)
    pair_idx = idx_t - hi * _SPLIT
    parity = hi.reshape(-1, 1)
    table2 = _pair_relayout(table.T)
    rows = _gather_rows_sc(table2, pair_idx)
    w1_parts = [W1[:, j * embed:(j + 1) * embed] for j in range(ctx)]
    W1d = jnp.concatenate(
        [jnp.concatenate([p, p], axis=1) for p in w1_parts], axis=0)
    return _mlp_log_softmax(rows, parity, W1d, b1.reshape(1, -1),
                            W2, b2.reshape(1, -1))

# --- scband reference (transcript-rebuilt; emitter-appended) ---
"""Pipeline reference for scband-my-word2-vec-1125281431595 (READ-ONLY COPY).

The authoritative reference and input builder live on the scoring server;
editing this copy changes nothing except your own understanding.
"""

import jax, jax.numpy as jnp
import numpy as np

VOCAB = 100000
EMBED = 64
CONTEXT_SIZE = 2
BATCH = 1024
HIDDEN = 128


def setup_inputs(seed: int = 0) -> dict:
    key = jax.random.key(seed)
    k1, k2, k3, k4 = jax.random.split(key, 4)
    x = jax.random.randint(k1, (BATCH, 2 * CONTEXT_SIZE), 0, VOCAB)
    table = jax.random.normal(k2, (VOCAB, EMBED), dtype=jnp.float32)
    W1 = jax.random.normal(k3, (HIDDEN, 2 * CONTEXT_SIZE * EMBED), dtype=jnp.float32) * 0.05
    b1 = jnp.zeros((HIDDEN,), dtype=jnp.float32)
    W2 = jax.random.normal(k4, (VOCAB, HIDDEN), dtype=jnp.float32) * 0.05
    b2 = jnp.zeros((VOCAB,), dtype=jnp.float32)
    return {"x": x, "table": table, "W1": W1, "b1": b1, "W2": W2, "b2": b2}


def reference(x, table, W1, b1, W2, b2):
    B = x.shape[0]
    embeds = jnp.take(table, x, axis=0).reshape((B, -1))
    out = jax.nn.relu(embeds @ W1.T + b1)
    out = out @ W2.T + b2
    log_probs = jax.nn.log_softmax(out, axis=1)
    return log_probs

if __name__ == "__main__":
    import jax
    _d = setup_inputs()
    print(jax.jit(kernel)(*tuple(_d.values())))

</pallas_src>

<mosaic_0001>
#map = affine_map<(d0, d1) -> (0, 0)>
#map1 = affine_map<(d0, d1) -> (0)>
module attributes {stable_mosaic.version = 14 : i64} {
  func.func @gather_kernel(%arg0: i32, %arg1: i32, %arg2: memref<57344x128xf32, #tpu.memory_space<hbm>>, %arg3: memref<4096xi32, #tpu.memory_space<hbm>>, %arg4: memref<4096x128xf32, #tpu.memory_space<hbm>>, %arg5: memref<128xi32, #tpu.memory_space<vmem>>, %arg6: memref<128x128xf32, #tpu.memory_space<vmem>>, %arg7: memref<!tpu.dma_semaphore, #tpu.memory_space<semaphore_mem>>) attributes {dimension_semantics = [#tpu.dimension_semantics<core_parallel>, #tpu.dimension_semantics<subcore_parallel>], iteration_bounds = array<i64: 2, 16>, scalar_prefetch = 0 : i64, scratch_operands = 3 : i64, tpu.core_type = #tpu.core_type<sc_vector_subcore>, window_params = [{transform_indices = #map}, {transform_indices = #map1}, {transform_indices = #map}]} {
    %mul3A = arith.constant 2 : i32
    %mul3A_0 = arith.muli %arg1, %mul3A : i32
    %add3A = arith.addi %mul3A_0, %arg0 : i32
    %mul3A_1 = arith.constant 128 : i32
    %mul3A_2 = arith.muli %add3A, %mul3A_1 : i32
    "tpu.region"() ({
      %run_scoped3A = tpu.sem_alloc : memref<!tpu.dma_semaphore, #tpu.memory_space<semaphore_mem>>
      %dma_start3A_7 = tpu.memref_slice %arg3[%mul3A_2] : memref<4096xi32, #tpu.memory_space<hbm>> -> memref<128xi32, #tpu.memory_space<hbm>>
      %dma_start3A_8 = tpu.memref_slice %arg3[%mul3A_2] : memref<4096xi32, #tpu.memory_space<hbm>> -> memref<128xi32, #tpu.memory_space<hbm>>
      tpu.enqueue_dma source(%dma_start3A_8 : memref<128xi32, #tpu.memory_space<hbm>>) target(%arg5 : memref<128xi32, #tpu.memory_space<vmem>>) target_semaphore(%run_scoped3A : memref<!tpu.dma_semaphore, #tpu.memory_space<semaphore_mem>>)
      %dma_wait3A_9 = tpu.memref_slice %arg3[%mul3A_2] : memref<4096xi32, #tpu.memory_space<hbm>> -> memref<128xi32, #tpu.memory_space<hbm>>
      %dma_wait3A_10 = tpu.memref_slice %arg3[%mul3A_2] : memref<4096xi32, #tpu.memory_space<hbm>> -> memref<128xi32, #tpu.memory_space<hbm>>
      tpu.wait_dma2 semaphore(%run_scoped3A : memref<!tpu.dma_semaphore, #tpu.memory_space<semaphore_mem>>) src(%dma_wait3A_10 : memref<128xi32, #tpu.memory_space<hbm>>) dst(%arg5 : memref<128xi32, #tpu.memory_space<vmem>>)
      tpu.yield
    }) : () -> ()
    %dma_start3A = arith.constant 0 : i32
    %dma_start3A_3 = arith.constant 0 : i32
    %dma_start3A_4 = tpu.memref_slice %arg2[%dma_start3A, %dma_start3A_3] : memref<57344x128xf32, #tpu.memory_space<hbm>> -> memref<57344x128xf32, #tpu.memory_space<hbm>>
    tpu.enqueue_indirect_dma source(%dma_start3A_4 : memref<57344x128xf32, #tpu.memory_space<hbm>>) target(%arg6 : memref<128x128xf32, #tpu.memory_space<vmem>>) offsets(%arg5 : memref<128xi32, #tpu.memory_space<vmem>>) semaphore(%arg7 : memref<!tpu.dma_semaphore, #tpu.memory_space<semaphore_mem>>)
    %dma_wait3A = arith.constant 0 : i32
    %dma_wait3A_5 = arith.constant 0 : i32
    %dma_wait3A_6 = tpu.memref_slice %arg2[%dma_wait3A, %dma_wait3A_5] : memref<57344x128xf32, #tpu.memory_space<hbm>> -> memref<57344x128xf32, #tpu.memory_space<hbm>>
    tpu.wait_indirect_dma semaphore(%arg7 : memref<!tpu.dma_semaphore, #tpu.memory_space<semaphore_mem>>) src(%dma_wait3A_6 : memref<57344x128xf32, #tpu.memory_space<hbm>>) dst(%arg6 : memref<128x128xf32, #tpu.memory_space<vmem>>)
    "tpu.region"() ({
      %run_scoped3A = tpu.sem_alloc : memref<!tpu.dma_semaphore, #tpu.memory_space<semaphore_mem>>
      %dma_start3A_7 = arith.constant 0 : i32
      %dma_start3A_8 = tpu.memref_slice %arg4[%mul3A_2, %dma_start3A_7] : memref<4096x128xf32, #tpu.memory_space<hbm>> -> memref<128x128xf32, #tpu.memory_space<hbm>>
      %dma_start3A_9 = arith.constant 0 : i32
      %dma_start3A_10 = tpu.memref_slice %arg4[%mul3A_2, %dma_start3A_9] : memref<4096x128xf32, #tpu.memory_space<hbm>> -> memref<128x128xf32, #tpu.memory_space<hbm>>
      tpu.enqueue_dma source(%arg6 : memref<128x128xf32, #tpu.memory_space<vmem>>) target(%dma_start3A_10 : memref<128x128xf32, #tpu.memory_space<hbm>>) target_semaphore(%run_scoped3A : memref<!tpu.dma_semaphore, #tpu.memory_space<semaphore_mem>>)
      %dma_wait3A_11 = arith.constant 0 : i32
      %dma_wait3A_12 = tpu.memref_slice %arg4[%mul3A_2, %dma_wait3A_11] : memref<4096x128xf32, #tpu.memory_space<hbm>> -> memref<128x128xf32, #tpu.memory_space<hbm>>
      %dma_wait3A_13 = arith.constant 0 : i32
      %dma_wait3A_14 = tpu.memref_slice %arg4[%mul3A_2, %dma_wait3A_13] : memref<4096x128xf32, #tpu.memory_space<hbm>> -> memref<128x128xf32, #tpu.memory_space<hbm>>
      tpu.wait_dma2 semaphore(%run_scoped3A : memref<!tpu.dma_semaphore, #tpu.memory_space<semaphore_mem>>) src(%arg6 : memref<128x128xf32, #tpu.memory_space<vmem>>) dst(%dma_wait3A_14 : memref<128x128xf32, #tpu.memory_space<hbm>>)
      tpu.yield
    }) : () -> ()
    return
  }
}

module attributes {stable_mosaic.version = 14 : i64} {
  func.func @body(%arg0: i32, %arg1: memref<64x8192xf32, #tpu.memory_space<vmem>>, %arg2: memref<64x8192xf32, #tpu.memory_space<vmem>>, %arg3: memref<8192x128xf32, #tpu.memory_space<vmem>>) attributes {dimension_semantics = [#tpu.dimension_semantics<arbitrary>], iteration_bounds = array<i64: 7>, scalar_prefetch = 0 : i64, scratch_operands = 0 : i64, tpu.core_type = #tpu.core_type<tc>, window_params = [{transform_indices = @transform_0, window_bounds = array<i64: 64, 8192>}, {transform_indices = @transform_1, window_bounds = array<i64: 64, 8192>}, {transform_indices = @transform_2, window_bounds = array<i64: 8192, 128>}]} {
    %get3A = arith.constant 0 : index
    %get3A_0 = arith.constant 0 : index
    %get3A_1 = vector.load %arg1[%get3A, %get3A_0] : memref<64x8192xf32, #tpu.memory_space<vmem>>, vector<64x8192xf32>
    %get3A_2 = arith.constant 0 : index
    %get3A_3 = arith.constant 0 : index
    %get3A_4 = vector.load %arg2[%get3A_2, %get3A_3] : memref<64x8192xf32, #tpu.memory_space<vmem>>, vector<64x8192xf32>
    %concatenate3A = tpu.concatenate %get3A_1, %get3A_4 in 0 : vector<64x8192xf32>, vector<64x8192xf32> -> vector<128x8192xf32>
    %transpose3A = tpu.transpose %concatenate3A, [1, 0] : vector<128x8192xf32> -> vector<8192x128xf32>
    %swap3A = arith.constant 0 : index
    %swap3A_5 = arith.constant 0 : index
    %swap3A_6 = vector.load %arg3[%swap3A, %swap3A_5] : memref<8192x128xf32, #tpu.memory_space<vmem>>, vector<8192x128xf32>
    tpu.vector_store %arg3[%swap3A, %swap3A_5], %transpose3A {strides = array<i32>} : memref<8192x128xf32, #tpu.memory_space<vmem>>, vector<8192x128xf32>,
    return
  }
  func.func @transform_0(%arg0: i32) -> (i32, i32) {
    %c0_i32 = arith.constant 0 : i32
    %c0_i32_0 = arith.constant 0 : i32
    return %c0_i32, %arg0 : i32, i32
  }
  func.func @transform_1(%arg0: i32) -> (i32, i32) {
    %add3A = arith.constant 7 : i32
    %add3A_0 = arith.addi %arg0, %add3A : i32
    %min3A = arith.constant 12 : i32
    %min3A_1 = arith.minsi %add3A_0, %min3A : i32
    %c0_i32 = arith.constant 0 : i32
    %c0_i32_2 = arith.constant 0 : i32
    return %c0_i32, %min3A_1 : i32, i32
  }
  func.func @transform_2(%arg0: i32) -> (i32, i32) {
    %c0_i32 = arith.constant 0 : i32
    %c0_i32_0 = arith.constant 0 : i32
    return %arg0, %c0_i32 : i32, i32
  }
}

module attributes {stable_mosaic.version = 14 : i64} {
  func.func @_pass1_body(%arg0: i32, %arg1: memref<4096x128xf32, #tpu.memory_space<vmem>>, %arg2: memref<4096x1xi32, #tpu.memory_space<vmem>>, %arg3: memref<512x128xf32, #tpu.memory_space<vmem>>, %arg4: memref<1x128xf32, #tpu.memory_space<vmem>>, %arg5: memref<8192x128xf32, #tpu.memory_space<vmem>>, %arg6: memref<1x8192xf32, #tpu.memory_space<vmem>>, %arg7: memref<1024x128xf32, #tpu.memory_space<vmem>>, %arg8: memref<1024x1xf32, #tpu.memory_space<vmem>>, %arg9: memref<8192x128xbf16, #tpu.memory_space<vmem>>, %arg10: memref<1024x1xf32, #tpu.memory_space<vmem>>) attributes {dimension_semantics = [#tpu.dimension_semantics<arbitrary>], iteration_bounds = array<i64: 13>, scalar_prefetch = 0 : i64, scratch_operands = 1 : i64, tpu.core_type = #tpu.core_type<tc>, window_params = [{pipeline_mode = #tpu.pipeline_mode<synchronous>, transform_indices = @transform_0, window_bounds = array<i64: 4096, 128>}, {pipeline_mode = #tpu.pipeline_mode<synchronous>, transform_indices = @transform_1, window_bounds = array<i64: 4096, 1>}, {pipeline_mode = #tpu.pipeline_mode<synchronous>, transform_indices = @transform_2, window_bounds = array<i64: 512, 128>}, {pipeline_mode = #tpu.pipeline_mode<synchronous>, transform_indices = @transform_3, window_bounds = array<i64: 1, 128>}, {transform_indices = @transform_4, window_bounds = array<i64: 8192, 128>}, {transform_indices = @transform_5, window_bounds = array<i64: 1, 8192>}, {pipeline_mode = #tpu.pipeline_mode<synchronous>, transform_indices = @transform_6, window_bounds = array<i64: 1024, 128>}, {pipeline_mode = #tpu.pipeline_mode<synchronous>, transform_indices = @transform_7, window_bounds = array<i64: 1024, 1>}, {transform_indices = @transform_8, window_bounds = array<i64: 8192, 128>}]} {
    %eq3A = arith.constant 0 : i32
    %eq3A_0 = arith.cmpi eq, %arg0, %eq3A : i32
    %convert_element_type3A = arith.extui %eq3A_0 : i1 to i32
    %cond3A = arith.constant 0 : i32
    %cond3A_1 = arith.cmpi ne, %convert_element_type3A, %cond3A : i32
    scf.if %cond3A_1 {
      %iota3A = tpu.iota {dimensions = array<i32: 1>} : vector<4096x128xi32>
      %ge3A = arith.constant 64 : i32
      %ge3A_14 = vector.broadcast %ge3A : i32 to vector<4096x128xi32>
      %ge3A_15 = arith.cmpi sge, %iota3A, %ge3A_14 : vector<4096x128xi32>
      %get3A_16 = arith.constant 0 : index
      %get3A_17 = arith.constant 0 : index
      %get3A_18 = vector.load %arg2[%get3A_16, %get3A_17] : memref<4096x1xi32, #tpu.memory_space<vmem>>, vector<4096x1xi32>
      %eq3A_19 = arith.constant 1 : i32
      %eq3A_20 = vector.broadcast %eq3A_19 : i32 to vector<4096x1xi32>
      %eq3A_21 = arith.cmpi eq, %get3A_18, %eq3A_20 : vector<4096x1xi32>
      %eq3A_22 = vector.broadcast %eq3A_21 : vector<4096x1xi1> to vector<4096x128xi1>
      %eq3A_23 = vector.broadcast %eq3A_22 : vector<4096x128xi1> to vector<4096x128xi1>
      %eq3A_24 = arith.xori %ge3A_15, %eq3A_23 : vector<4096x128xi1>
      %eq3A_25 = arith.constant dense<true> : vector<4096x128xi1>
      %eq3A_26 = arith.xori %eq3A_24, %eq3A_25 : vector<4096x128xi1>
      %get3A_27 = arith.constant 0 : index
      %get3A_28 = arith.constant 0 : index
      %get3A_29 = vector.load %arg1[%get3A_27, %get3A_28] : memref<4096x128xf32, #tpu.memory_space<vmem>>, vector<4096x128xf32>
      %jit3A = arith.constant 0.000000e+00 : f32
      %broadcast_in_dim3A = vector.broadcast %jit3A : f32 to vector<4096x128xf32>
      %select_n3A = arith.select %eq3A_26, %get3A_29, %broadcast_in_dim3A : vector<4096x128xi1>, vector<4096x128xf32>
      %get3A_30 = arith.constant 0 : index
      %get3A_31 = arith.constant 0 : index
      %get3A_32 = vector.load %arg4[%get3A_30, %get3A_31] : memref<1x128xf32, #tpu.memory_space<vmem>>, vector<1x128xf32>
      %slice3A = vector.extract_strided_slice %select_n3A {offsets = [0, 0], sizes = [1024, 128], strides = [1, 1]} : vector<4096x128xf32> to vector<1024x128xf32>
      %get3A_33 = arith.constant 0 : index
      %get3A_34 = arith.constant 0 : index
      %get3A_35 = vector.load %arg3[%get3A_33, %get3A_34] : memref<512x128xf32, #tpu.memory_space<vmem>>, vector<128x128xf32>
      %convert_element_type3A_36 = arith.truncf %slice3A : vector<1024x128xf32> to vector<1024x128xbf16>
      %convert_element_type3A_37 = arith.truncf %get3A_35 : vector<128x128xf32> to vector<128x128xbf16>
      %dot_general3A = arith.constant dense<0.000000e+00> : vector<1024x128xf32>
      %dot_general3A_38 = tpu.matmul %convert_element_type3A_36, %convert_element_type3A_37, %dot_general3A {dimension_numbers = #tpu.dot_dimension_numbers<[1], [1], [0], [0], [0, 0, 1, 0], [], []>, transpose_lhs_hint = false} : vector<1024x128xbf16>, vector<128x128xbf16>, vector<1024x128xf32> -> vector<1024x128xf32>
      %add3A = vector.broadcast %get3A_32 : vector<1x128xf32> to vector<1024x128xf32>
      %add3A_39 = arith.addf %add3A, %dot_general3A_38 : vector<1024x128xf32>
      %slice3A_40 = vector.extract_strided_slice %select_n3A {offsets = [1024, 0], sizes = [1024, 128], strides = [1, 1]} : vector<4096x128xf32> to vector<1024x128xf32>
      %get3A_41 = arith.constant 128 : index
      %get3A_42 = arith.constant 0 : index
      %get3A_43 = vector.load %arg3[%get3A_41, %get3A_42] : memref<512x128xf32, #tpu.memory_space<vmem>>, vector<128x128xf32>
      %convert_element_type3A_44 = arith.truncf %slice3A_40 : vector<1024x128xf32> to vector<1024x128xbf16>
      %convert_element_type3A_45 = arith.truncf %get3A_43 : vector<128x128xf32> to vector<128x128xbf16>
      %dot_general3A_46 = arith.constant dense<0.000000e+00> : vector<1024x128xf32>
      %dot_general3A_47 = tpu.matmul %convert_element_type3A_44, %convert_element_type3A_45, %dot_general3A_46 {dimension_numbers = #tpu.dot_dimension_numbers<[1], [1], [0], [0], [0, 0, 1, 0], [], []>, transpose_lhs_hint = false} : vector<1024x128xbf16>, vector<128x128xbf16>, vector<1024x128xf32> -> vector<1024x128xf32>
      %add3A_48 = arith.addf %add3A_39, %dot_general3A_47 : vector<1024x128xf32>
      %slice3A_49 = vector.extract_strided_slice %select_n3A {offsets = [2048, 0], sizes = [1024, 128], strides = [1, 1]} : vector<4096x128xf32> to vector<1024x128xf32>
      %get3A_50 = arith.constant 256 : index
      %get3A_51 = arith.constant 0 : index
      %get3A_52 = vector.load %arg3[%get3A_50, %get3A_51] : memref<512x128xf32, #tpu.memory_space<vmem>>, vector<128x128xf32>
      %convert_element_type3A_53 = arith.truncf %slice3A_49 : vector<1024x128xf32> to vector<1024x128xbf16>
      %convert_element_type3A_54 = arith.truncf %get3A_52 : vector<128x128xf32> to vector<128x128xbf16>
      %dot_general3A_55 = arith.constant dense<0.000000e+00> : vector<1024x128xf32>
      %dot_general3A_56 = tpu.matmul %convert_element_type3A_53, %convert_element_type3A_54, %dot_general3A_55 {dimension_numbers = #tpu.dot_dimension_numbers<[1], [1], [0], [0], [0, 0, 1, 0], [], []>, transpose_lhs_hint = false} : vector<1024x128xbf16>, vector<128x128xbf16>, vector<1024x128xf32> -> vector<1024x128xf32>
      %add3A_57 = arith.addf %add3A_48, %dot_general3A_56 : vector<1024x128xf32>
      %slice3A_58 = vector.extract_strided_slice %select_n3A {offsets = [3072, 0], sizes = [1024, 128], strides = [1, 1]} : vector<4096x128xf32> to vector<1024x128xf32>
      %get3A_59 = arith.constant 384 : index
      %get3A_60 = arith.constant 0 : index
      %get3A_61 = vector.load %arg3[%get3A_59, %get3A_60] : memref<512x128xf32, #tpu.memory_space<vmem>>, vector<128x128xf32>
      %convert_element_type3A_62 = arith.truncf %slice3A_58 : vector<1024x128xf32> to vector<1024x128xbf16>
      %convert_element_type3A_63 = arith.truncf %get3A_61 : vector<128x128xf32> to vector<128x128xbf16>
      %dot_general3A_64 = arith.constant dense<0.000000e+00> : vector<1024x128xf32>
      %dot_general3A_65 = tpu.matmul %convert_element_type3A_62, %convert_element_type3A_63, %dot_general3A_64 {dimension_numbers = #tpu.dot_dimension_numbers<[1], [1], [0], [0], [0, 0, 1, 0], [], []>, transpose_lhs_hint = false} : vector<1024x128xbf16>, vector<128x128xbf16>, vector<1024x128xf32> -> vector<1024x128xf32>
      %add3A_66 = arith.addf %add3A_57, %dot_general3A_65 : vector<1024x128xf32>
      %max3A = arith.constant 0.000000e+00 : f32
      %max3A_67 = vector.broadcast %max3A : f32 to vector<1024x128xf32>
      %max3A_68 = arith.maximumf %add3A_66, %max3A_67 : vector<1024x128xf32>
      %swap3A = arith.constant 0 : index
      %swap3A_69 = arith.constant 0 : index
      %swap3A_70 = vector.load %arg7[%swap3A, %swap3A_69] : memref<1024x128xf32, #tpu.memory_space<vmem>>, vector<1024x128xf32>
      tpu.vector_store %arg7[%swap3A, %swap3A_69], %max3A_68 {strides = array<i32>} : memref<1024x128xf32, #tpu.memory_space<vmem>>, vector<1024x128xf32>,
      %broadcast_in_dim3A_71 = arith.constant 0.000000e+00 : f32
      %broadcast_in_dim3A_72 = vector.broadcast %broadcast_in_dim3A_71 : f32 to vector<1024x1xf32>
      %swap3A_73 = arith.constant 0 : index
      %swap3A_74 = arith.constant 0 : index
      %swap3A_75 = vector.load %arg10[%swap3A_73, %swap3A_74] : memref<1024x1xf32, #tpu.memory_space<vmem>>, vector<1024x1xf32>
      tpu.vector_store %arg10[%swap3A_73, %swap3A_74], %broadcast_in_dim3A_72 {strides = array<i32>} : memref<1024x1xf32, #tpu.memory_space<vmem>>, vector<1024x1xf32>,
    } else {
    }
    %get3A = arith.constant 0 : index
    %get3A_2 = arith.constant 0 : index
    %get3A_3 = vector.load %arg7[%get3A, %get3A_2] : memref<1024x128xf32, #tpu.memory_space<vmem>>, vector<1024x128xf32>
    %convert_element_type3A_4 = arith.truncf %get3A_3 : vector<1024x128xf32> to vector<1024x128xbf16>
    %lt3A = arith.constant 12 : i32
    %lt3A_5 = arith.cmpi slt, %arg0, %lt3A : i32
    %convert_element_type3A_6 = arith.extui %lt3A_5 : i1 to i32
    %cond3A_7 = arith.constant 0 : i32
    %cond3A_8 = arith.cmpi ne, %convert_element_type3A_6, %cond3A_7 : i32
    scf.if %cond3A_8 {
      %get3A_14 = arith.constant 0 : index
      %get3A_15 = arith.constant 0 : index
      %get3A_16 = vector.load %arg10[%get3A_14, %get3A_15] : memref<1024x1xf32, #tpu.memory_space<vmem>>, vector<1024x1xf32>
      %get3A_17 = arith.constant 0 : index
      %get3A_18 = arith.constant 0 : index
      %get3A_19 = vector.load %arg5[%get3A_17, %get3A_18] : memref<8192x128xf32, #tpu.memory_space<vmem>>, vector<512x128xf32>
      %convert_element_type3A_20 = arith.truncf %get3A_19 : vector<512x128xf32> to vector<512x128xbf16>
      %swap3A = arith.constant 0 : index
      %swap3A_21 = arith.constant 0 : index
      %swap3A_22 = vector.load %arg9[%swap3A, %swap3A_21] : memref<8192x128xbf16, #tpu.memory_space<vmem>>, vector<512x128xbf16>
      tpu.vector_store %arg9[%swap3A, %swap3A_21], %convert_element_type3A_20 {strides = array<i32>} : memref<8192x128xbf16, #tpu.memory_space<vmem>>, vector<512x128xbf16>,
      %dot_general3A = arith.constant dense<0.000000e+00> : vector<1024x512xf32>
      %dot_general3A_23 = tpu.matmul %convert_element_type3A_4, %convert_element_type3A_20, %dot_general3A {dimension_numbers = #tpu.dot_dimension_numbers<[1], [1], [0], [0], [0, 0, 1, 0], [], []>, transpose_lhs_hint = false} : vector<1024x128xbf16>, vector<512x128xbf16>, vector<1024x512xf32> -> vector<1024x512xf32>
      %get3A_24 = arith.constant 0 : index
      %get3A_25 = arith.constant 0 : index
      %get3A_26 = vector.load %arg6[%get3A_24, %get3A_25] : memref<1x8192xf32, #tpu.memory_space<vmem>>, vector<1x512xf32>
      %add3A = vector.broadcast %get3A_26 : vector<1x512xf32> to vector<1024x512xf32>
      %add3A_27 = arith.addf %dot_general3A_23, %add3A : vector<1024x512xf32>
      %exp3A = math.exp %add3A_27 : vector<1024x512xf32>
      %reduce_sum3A = arith.constant dense<0.000000e+00> : vector<1024xf32>
      %reduce_sum3A_28 = vector.multi_reduction <add>, %exp3A, %reduce_sum3A [1] : vector<1024x512xf32> to vector<1024xf32>
      %broadcast_in_dim3A = vector.shape_cast %reduce_sum3A_28 : vector<1024xf32> to vector<1024x1xf32>
      %get3A_29 = arith.constant 512 : index
      %get3A_30 = arith.constant 0 : index
      %get3A_31 = vector.load %arg5[%get3A_29, %get3A_30] : memref<8192x128xf32, #tpu.memory_space<vmem>>, vector<512x128xf32>
      %convert_element_type3A_32 = arith.truncf %get3A_31 : vector<512x128xf32> to vector<512x128xbf16>
      %swap3A_33 = arith.constant 512 : index
      %swap3A_34 = arith.constant 0 : index
      %swap3A_35 = vector.load %arg9[%swap3A_33, %swap3A_34] : memref<8192x128xbf16, #tpu.memory_space<vmem>>, vector<512x128xbf16>
      tpu.vector_store %arg9[%swap3A_33, %swap3A_34], %convert_element_type3A_32 {strides = array<i32>} : memref<8192x128xbf16, #tpu.memory_space<vmem>>, vector<512x128xbf16>,
      %dot_general3A_36 = arith.constant dense<0.000000e+00> : vector<1024x512xf32>
      %dot_general3A_37 = tpu.matmul %convert_element_type3A_4, %convert_element_type3A_32, %dot_general3A_36 {dimension_numbers = #tpu.dot_dimension_numbers<[1], [1], [0], [0], [0, 0, 1, 0], [], []>, transpose_lhs_hint = false} : vector<1024x128xbf16>, vector<512x128xbf16>, vector<1024x512xf32> -> vector<1024x512xf32>
      %get3A_38 = arith.constant 0 : index
      %get3A_39 = arith.constant 512 : index
      %get3A_40 = vector.load %arg6[%get3A_38, %get3A_39] : memref<1x8192xf32, #tpu.memory_space<vmem>>, vector<1x512xf32>
      %add3A_41 = vector.broadcast %get3A_40 : vector<1x512xf32> to vector<1024x512xf32>
      %add3A_42 = arith.addf %dot_general3A_37, %add3A_41 : vector<1024x512xf32>
      %exp3A_43 = math.exp %add3A_42 : vector<1024x512xf32>
      %reduce_sum3A_44 = arith.constant dense<0.000000e+00> : vector<1024xf32>
      %reduce_sum3A_45 = vector.multi_reduction <add>, %exp3A_43, %reduce_sum3A_44 [1] : vector<1024x512xf32> to vector<1024xf32>
      %broadcast_in_dim3A_46 = vector.shape_cast %reduce_sum3A_45 : vector<1024xf32> to vector<1024x1xf32>
      %get3A_47 = arith.constant 1024 : index
      %get3A_48 = arith.constant 0 : index
      %get3A_49 = vector.load %arg5[%get3A_47, %get3A_48] : memref<8192x128xf32, #tpu.memory_space<vmem>>, vector<512x128xf32>
      %convert_element_type3A_50 = arith.truncf %get3A_49 : vector<512x128xf32> to vector<512x128xbf16>
      %swap3A_51 = arith.constant 1024 : index
      %swap3A_52 = arith.constant 0 : index
      %swap3A_53 = vector.load %arg9[%swap3A_51, %swap3A_52] : memref<8192x128xbf16, #tpu.memory_space<vmem>>, vector<512x128xbf16>
      tpu.vector_store %arg9[%swap3A_51, %swap3A_52], %convert_element_type3A_50 {strides = array<i32>} : memref<8192x128xbf16, #tpu.memory_space<vmem>>, vector<512x128xbf16>,
      %dot_general3A_54 = arith.constant dense<0.000000e+00> : vector<1024x512xf32>
      %dot_general3A_55 = tpu.matmul %convert_element_type3A_4, %convert_element_type3A_50, %dot_general3A_54 {dimension_numbers = #tpu.dot_dimension_numbers<[1], [1], [0], [0], [0, 0, 1, 0], [], []>, transpose_lhs_hint = false} : vector<1024x128xbf16>, vector<512x128xbf16>, vector<1024x512xf32> -> vector<1024x512xf32>
      %get3A_56 = arith.constant 0 : index
      %get3A_57 = arith.constant 1024 : index
      %get3A_58 = vector.load %arg6[%get3A_56, %get3A_57] : memref<1x8192xf32, #tpu.memory_space<vmem>>, vector<1x512xf32>
      %add3A_59 = vector.broadcast %get3A_58 : vector<1x512xf32> to vector<1024x512xf32>
      %add3A_60 = arith.addf %dot_general3A_55, %add3A_59 : vector<1024x512xf32>
      %exp3A_61 = math.exp %add3A_60 : vector<1024x512xf32>
      %reduce_sum3A_62 = arith.constant dense<0.000000e+00> : vector<1024xf32>
      %reduce_sum3A_63 = vector.multi_reduction <add>, %exp3A_61, %reduce_sum3A_62 [1] : vector<1024x512xf32> to vector<1024xf32>
      %broadcast_in_dim3A_64 = vector.shape_cast %reduce_sum3A_63 : vector<1024xf32> to vector<1024x1xf32>
      %get3A_65 = arith.constant 1536 : index
      %get3A_66 = arith.constant 0 : index
      %get3A_67 = vector.load %arg5[%get3A_65, %get3A_66] : memref<8192x128xf32, #tpu.memory_space<vmem>>, vector<512x128xf32>
      %convert_element_type3A_68 = arith.truncf %get3A_67 : vector<512x128xf32> to vector<512x128xbf16>
      %swap3A_69 = arith.constant 1536 : index
      %swap3A_70 = arith.constant 0 : index
      %swap3A_71 = vector.load %arg9[%swap3A_69, %swap3A_70] : memref<8192x128xbf16, #tpu.memory_space<vmem>>, vector<512x128xbf16>
      tpu.vector_store %arg9[%swap3A_69, %swap3A_70], %convert_element_type3A_68 {strides = array<i32>} : memref<8192x128xbf16, #tpu.memory_space<vmem>>, vector<512x128xbf16>,
      %dot_general3A_72 = arith.constant dense<0.000000e+00> : vector<1024x512xf32>
      %dot_general3A_73 = tpu.matmul %convert_element_type3A_4, %convert_element_type3A_68, %dot_general3A_72 {dimension_numbers = #tpu.dot_dimension_numbers<[1], [1], [0], [0], [0, 0, 1, 0], [], []>, transpose_lhs_hint = false} : vector<1024x128xbf16>, vector<512x128xbf16>, vector<1024x512xf32> -> vector<1024x512xf32>
      %get3A_74 = arith.constant 0 : index
      %get3A_75 = arith.constant 1536 : index
      %get3A_76 = vector.load %arg6[%get3A_74, %get3A_75] : memref<1x8192xf32, #tpu.memory_space<vmem>>, vector<1x512xf32>
      %add3A_77 = vector.broadcast %get3A_76 : vector<1x512xf32> to vector<1024x512xf32>
      %add3A_78 = arith.addf %dot_general3A_73, %add3A_77 : vector<1024x512xf32>
      %exp3A_79 = math.exp %add3A_78 : vector<1024x512xf32>
      %reduce_sum3A_80 = arith.constant dense<0.000000e+00> : vector<1024xf32>
      %reduce_sum3A_81 = vector.multi_reduction <add>, %exp3A_79, %reduce_sum3A_80 [1] : vector<1024x512xf32> to vector<1024xf32>
      %broadcast_in_dim3A_82 = vector.shape_cast %reduce_sum3A_81 : vector<1024xf32> to vector<1024x1xf32>
      %get3A_83 = arith.constant 2048 : index
      %get3A_84 = arith.constant 0 : index
      %get3A_85 = vector.load %arg5[%get3A_83, %get3A_84] : memref<8192x128xf32, #tpu.memory_space<vmem>>, vector<512x128xf32>
      %convert_element_type3A_86 = arith.truncf %get3A_85 : vector<512x128xf32> to vector<512x128xbf16>
      %swap3A_87 = arith.constant 2048 : index
      %swap3A_88 = arith.constant 0 : index
      %swap3A_89 = vector.load %arg9[%swap3A_87, %swap3A_88] : memref<8192x128xbf16, #tpu.memory_space<vmem>>, vector<512x128xbf16>
      tpu.vector_store %arg9[%swap3A_87, %swap3A_88], %convert_element_type3A_86 {strides = array<i32>} : memref<8192x128xbf16, #tpu.memory_space<vmem>>, vector<512x128xbf16>,
      %dot_general3A_90 = arith.constant dense<0.000000e+00> : vector<1024x512xf32>
      %dot_general3A_91 = tpu.matmul %convert_element_type3A_4, %convert_element_type3A_86, %dot_general3A_90 {dimension_numbers = #tpu.dot_dimension_numbers<[1], [1], [0], [0], [0, 0, 1, 0], [], []>, transpose_lhs_hint = false} : vector<1024x128xbf16>, vector<512x128xbf16>, vector<1024x512xf32> -> vector<1024x512xf32>
      %get3A_92 = arith.constant 0 : index
      %get3A_93 = arith.constant 2048 : index
      %get3A_94 = vector.load %arg6[%get3A_92, %get3A_93] : memref<1x8192xf32, #tpu.memory_space<vmem>>, vector<1x512xf32>
      %add3A_95 = vector.broadcast %get3A_94 : vector<1x512xf32> to vector<1024x512xf32>
      %add3A_96 = arith.addf %dot_general3A_91, %add3A_95 : vector<1024x512xf32>
      %exp3A_97 = math.exp %add3A_96 : vector<1024x512xf32>
      %reduce_sum3A_98 = arith.constant dense<0.000000e+00> : vector<1024xf32>
      %reduce_sum3A_99 = vector.multi_reduction <add>, %exp3A_97, %reduce_sum3A_98 [1] : vector<1024x512xf32> to vector<1024xf32>
      %broadcast_in_dim3A_100 = vector.shape_cast %reduce_sum3A_99 : vector<1024xf32> to vector<1024x1xf32>
      %get3A_101 = arith.constant 2560 : index
      %get3A_102 = arith.constant 0 : index
      %get3A_103 = vector.load %arg5[%get3A_101, %get3A_102] : memref<8192x128xf32, #tpu.memory_space<vmem>>, vector<512x128xf32>
      %convert_element_type3A_104 = arith.truncf %get3A_103 : vector<512x128xf32> to vector<512x128xbf16>
      %swap3A_105 = arith.constant 2560 : index
      %swap3A_106 = arith.constant 0 : index
      %swap3A_107 = vector.load %arg9[%swap3A_105, %swap3A_106] : memref<8192x128xbf16, #tpu.memory_space<vmem>>, vector<512x128xbf16>
      tpu.vector_store %arg9[%swap3A_105, %swap3A_106], %convert_element_type3A_104 {strides = array<i32>} : memref<8192x128xbf16, #tpu.memory_space<vmem>>, vector<512x128xbf16>,
      %dot_general3A_108 = arith.constant dense<0.000000e+00> : vector<1024x512xf32>
      %dot_general3A_109 = tpu.matmul %convert_element_type3A_4, %convert_element_type3A_104, %dot_general3A_108 {dimension_numbers = #tpu.dot_dimension_numbers<[1], [1], [0], [0], [0, 0, 1, 0], [], []>, transpose_lhs_hint = false} : vector<1024x128xbf16>, vector<512x128xbf16>, vector<1024x512xf32> -> vector<1024x512xf32>
      %get3A_110 = arith.constant 0 : index
      %get3A_111 = arith.constant 2560 : index
      %get3A_112 = vector.load %arg6[%get3A_110, %get3A_111] : memref<1x8192xf32, #tpu.memory_space<vmem>>, vector<1x512xf32>
      %add3A_113 = vector.broadcast %get3A_112 : vector<1x512xf32> to vector<1024x512xf32>
      %add3A_114 = arith.addf %dot_general3A_109, %add3A_113 : vector<1024x512xf32>
      %exp3A_115 = math.exp %add3A_114 : vector<1024x512xf32>
      %reduce_sum3A_116 = arith.constant dense<0.000000e+00> : vector<1024xf32>
      %reduce_sum3A_117 = vector.multi_reduction <add>, %exp3A_115, %reduce_sum3A_116 [1] : vector<1024x512xf32> to vector<1024xf32>
      %broadcast_in_dim3A_118 = vector.shape_cast %reduce_sum3A_117 : vector<1024xf32> to vector<1024x1xf32>
      %get3A_119 = arith.constant 3072 : index
      %get3A_120 = arith.constant 0 : index
      %get3A_121 = vector.load %arg5[%get3A_119, %get3A_120] : memref<8192x128xf32, #tpu.memory_space<vmem>>, vector<512x128xf32>
      %convert_element_type3A_122 = arith.truncf %get3A_121 : vector<512x128xf32> to vector<512x128xbf16>
      %swap3A_123 = arith.constant 3072 : index
      %swap3A_124 = arith.constant 0 : index
      %swap3A_125 = vector.load %arg9[%swap3A_123, %swap3A_124] : memref<8192x128xbf16, #tpu.memory_space<vmem>>, vector<512x128xbf16>
      tpu.vector_store %arg9[%swap3A_123, %swap3A_124], %convert_element_type3A_122 {strides = array<i32>} : memref<8192x128xbf16, #tpu.memory_space<vmem>>, vector<512x128xbf16>,
      %dot_general3A_126 = arith.constant dense<0.000000e+00> : vector<1024x512xf32>
      %dot_general3A_127 = tpu.matmul %convert_element_type3A_4, %convert_element_type3A_122, %dot_general3A_126 {dimension_numbers = #tpu.dot_dimension_numbers<[1], [1], [0], [0], [0, 0, 1, 0], [], []>, transpose_lhs_hint = false} : vector<1024x128xbf16>, vector<512x128xbf16>, vector<1024x512xf32> -> vector<1024x512xf32>
      %get3A_128 = arith.constant 0 : index
      %get3A_129 = arith.constant 3072 : index
      %get3A_130 = vector.load %arg6[%get3A_128, %get3A_129] : memref<1x8192xf32, #tpu.memory_space<vmem>>, vector<1x512xf32>
      %add3A_131 = vector.broadcast %get3A_130 : vector<1x512xf32> to vector<1024x512xf32>
      %add3A_132 = arith.addf %dot_general3A_127, %add3A_131 : vector<1024x512xf32>
      %exp3A_133 = math.exp %add3A_132 : vector<1024x512xf32>
      %reduce_sum3A_134 = arith.constant dense<0.000000e+00> : vector<1024xf32>
      %reduce_sum3A_135 = vector.multi_reduction <add>, %exp3A_133, %reduce_sum3A_134 [1] : vector<1024x512xf32> to vector<1024xf32>
      %broadcast_in_dim3A_136 = vector.shape_cast %reduce_sum3A_135 : vector<1024xf32> to vector<1024x1xf32>
      %get3A_137 = arith.constant 3584 : index
      %get3A_138 = arith.constant 0 : index
      %get3A_139 = vector.load %arg5[%get3A_137, %get3A_138] : memref<8192x128xf32, #tpu.memory_space<vmem>>, vector<512x128xf32>
      %convert_element_type3A_140 = arith.truncf %get3A_139 : vector<512x128xf32> to vector<512x128xbf16>
      %swap3A_141 = arith.constant 3584 : index
      %swap3A_142 = arith.constant 0 : index
      %swap3A_143 = vector.load %arg9[%swap3A_141, %swap3A_142] : memref<8192x128xbf16, #tpu.memory_space<vmem>>, vector<512x128xbf16>
      tpu.vector_store %arg9[%swap3A_141, %swap3A_142], %convert_element_type3A_140 {strides = array<i32>} : memref<8192x128xbf16, #tpu.memory_space<vmem>>, vector<512x128xbf16>,
      %dot_general3A_144 = arith.constant dense<0.000000e+00> : vector<1024x512xf32>
      %dot_general3A_145 = tpu.matmul %convert_element_type3A_4, %convert_element_type3A_140, %dot_general3A_144 {dimension_numbers = #tpu.dot_dimension_numbers<[1], [1], [0], [0], [0, 0, 1, 0], [], []>, transpose_lhs_hint = false} : vector<1024x128xbf16>, vector<512x128xbf16>, vector<1024x512xf32> -> vector<1024x512xf32>
      %get3A_146 = arith.constant 0 : index
      %get3A_147 = arith.constant 3584 : index
      %get3A_148 = vector.load %arg6[%get3A_146, %get3A_147] : memref<1x8192xf32, #tpu.memory_space<vmem>>, vector<1x512xf32>
      %add3A_149 = vector.broadcast %get3A_148 : vector<1x512xf32> to vector<1024x512xf32>
      %add3A_150 = arith.addf %dot_general3A_145, %add3A_149 : vector<1024x512xf32>
      %exp3A_151 = math.exp %add3A_150 : vector<1024x512xf32>
      %reduce_sum3A_152 = arith.constant dense<0.000000e+00> : vector<1024xf32>
      %reduce_sum3A_153 = vector.multi_reduction <add>, %exp3A_151, %reduce_sum3A_152 [1] : vector<1024x512xf32> to vector<1024xf32>
      %broadcast_in_dim3A_154 = vector.shape_cast %reduce_sum3A_153 : vector<1024xf32> to vector<1024x1xf32>
      %get3A_155 = arith.constant 4096 : index
      %get3A_156 = arith.constant 0 : index
      %get3A_157 = vector.load %arg5[%get3A_155, %get3A_156] : memref<8192x128xf32, #tpu.memory_space<vmem>>, vector<512x128xf32>
      %convert_element_type3A_158 = arith.truncf %get3A_157 : vector<512x128xf32> to vector<512x128xbf16>
      %swap3A_159 = arith.constant 4096 : index
      %swap3A_160 = arith.constant 0 : index
      %swap3A_161 = vector.load %arg9[%swap3A_159, %swap3A_160] : memref<8192x128xbf16, #tpu.memory_space<vmem>>, vector<512x128xbf16>
      tpu.vector_store %arg9[%swap3A_159, %swap3A_160], %convert_element_type3A_158 {strides = array<i32>} : memref<8192x128xbf16, #tpu.memory_space<vmem>>, vector<512x128xbf16>,
      %dot_general3A_162 = arith.constant dense<0.000000e+00> : vector<1024x512xf32>
      %dot_general3A_163 = tpu.matmul %convert_element_type3A_4, %convert_element_type3A_158, %dot_general3A_162 {dimension_numbers = #tpu.dot_dimension_numbers<[1], [1], [0], [0], [0, 0, 1, 0], [], []>, transpose_lhs_hint = false} : vector<1024x128xbf16>, vector<512x128xbf16>, vector<1024x512xf32> -> vector<1024x512xf32>
      %get3A_164 = arith.constant 0 : index
      %get3A_165 = arith.constant 4096 : index
      %get3A_166 = vector.load %arg6[%get3A_164, %get3A_165] : memref<1x8192xf32, #tpu.memory_space<vmem>>, vector<1x512xf32>
      %add3A_167 = vector.broadcast %get3A_166 : vector<1x512xf32> to vector<1024x512xf32>
      %add3A_168 = arith.addf %dot_general3A_163, %add3A_167 : vector<1024x512xf32>
      %exp3A_169 = math.exp %add3A_168 : vector<1024x512xf32>
      %reduce_sum3A_170 = arith.constant dense<0.000000e+00> : vector<1024xf32>
      %reduce_sum3A_171 = vector.multi_reduction <add>, %exp3A_169, %reduce_sum3A_170 [1] : vector<1024x512xf32> to vector<1024xf32>
      %broadcast_in_dim3A_172 = vector.shape_cast %reduce_sum3A_171 : vector<1024xf32> to vector<1024x1xf32>
      %get3A_173 = arith.constant 4608 : index
      %get3A_174 = arith.constant 0 : index
      %get3A_175 = vector.load %arg5[%get3A_173, %get3A_174] : memref<8192x128xf32, #tpu.memory_space<vmem>>, vector<512x128xf32>
      %convert_element_type3A_176 = arith.truncf %get3A_175 : vector<512x128xf32> to vector<512x128xbf16>
      %swap3A_177 = arith.constant 4608 : index
      %swap3A_178 = arith.constant 0 : index
      %swap3A_179 = vector.load %arg9[%swap3A_177, %swap3A_178] : memref<8192x128xbf16, #tpu.memory_space<vmem>>, vector<512x128xbf16>
      tpu.vector_store %arg9[%swap3A_177, %swap3A_178], %convert_element_type3A_176 {strides = array<i32>} : memref<8192x128xbf16, #tpu.memory_space<vmem>>, vector<512x128xbf16>,
      %dot_general3A_180 = arith.constant dense<0.000000e+00> : vector<1024x512xf32>
      %dot_general3A_181 = tpu.matmul %convert_element_type3A_4, %convert_element_type3A_176, %dot_general3A_180 {dimension_numbers = #tpu.dot_dimension_numbers<[1], [1], [0], [0], [0, 0, 1, 0], [], []>, transpose_lhs_hint = false} : vector<1024x128xbf16>, vector<512x128xbf16>, vector<1024x512xf32> -> vector<1024x512xf32>
      %get3A_182 = arith.constant 0 : index
      %get3A_183 = arith.constant 4608 : index
      %get3A_184 = vector.load %arg6[%get3A_182, %get3A_183] : memref<1x8192xf32, #tpu.memory_space<vmem>>, vector<1x512xf32>
      %add3A_185 = vector.broadcast %get3A_184 : vector<1x512xf32> to vector<1024x512xf32>
      %add3A_186 = arith.addf %dot_general3A_181, %add3A_185 : vector<1024x512xf32>
      %exp3A_187 = math.exp %add3A_186 : vector<1024x512xf32>
      %reduce_sum3A_188 = arith.constant dense<0.000000e+00> : vector<1024xf32>
      %reduce_sum3A_189 = vector.multi_reduction <add>, %exp3A_187, %reduce_sum3A_188 [1] : vector<1024x512xf32> to vector<1024xf32>
      %broadcast_in_dim3A_190 = vector.shape_cast %reduce_sum3A_189 : vector<1024xf32> to vector<1024x1xf32>
      %get3A_191 = arith.constant 5120 : index
      %get3A_192 = arith.constant 0 : index
      %get3A_193 = vector.load %arg5[%get3A_191, %get3A_192] : memref<8192x128xf32, #tpu.memory_space<vmem>>, vector<512x128xf32>
      %convert_element_type3A_194 = arith.truncf %get3A_193 : vector<512x128xf32> to vector<512x128xbf16>
      %swap3A_195 = arith.constant 5120 : index
      %swap3A_196 = arith.constant 0 : index
      %swap3A_197 = vector.load %arg9[%swap3A_195, %swap3A_196] : memref<8192x128xbf16, #tpu.memory_space<vmem>>, vector<512x128xbf16>
      tpu.vector_store %arg9[%swap3A_195, %swap3A_196], %convert_element_type3A_194 {strides = array<i32>} : memref<8192x128xbf16, #tpu.memory_space<vmem>>, vector<512x128xbf16>,
      %dot_general3A_198 = arith.constant dense<0.000000e+00> : vector<1024x512xf32>
      %dot_general3A_199 = tpu.matmul %convert_element_type3A_4, %convert_element_type3A_194, %dot_general3A_198 {dimension_numbers = #tpu.dot_dimension_numbers<[1], [1], [0], [0], [0, 0, 1, 0], [], []>, transpose_lhs_hint = false} : vector<1024x128xbf16>, vector<512x128xbf16>, vector<1024x512xf32> -> vector<1024x512xf32>
      %get3A_200 = arith.constant 0 : index
      %get3A_201 = arith.constant 5120 : index
      %get3A_202 = vector.load %arg6[%get3A_200, %get3A_201] : memref<1x8192xf32, #tpu.memory_space<vmem>>, vector<1x512xf32>
      %add3A_203 = vector.broadcast %get3A_202 : vector<1x512xf32> to vector<1024x512xf32>
      %add3A_204 = arith.addf %dot_general3A_199, %add3A_203 : vector<1024x512xf32>
      %exp3A_205 = math.exp %add3A_204 : vector<1024x512xf32>
      %reduce_sum3A_206 = arith.constant dense<0.000000e+00> : vector<1024xf32>
      %reduce_sum3A_207 = vector.multi_reduction <add>, %exp3A_205, %reduce_sum3A_206 [1] : vector<1024x512xf32> to vector<1024xf32>
      %broadcast_in_dim3A_208 = vector.shape_cast %reduce_sum3A_207 : vector<1024xf32> to vector<1024x1xf32>
      %get3A_209 = arith.constant 5632 : index
      %get3A_210 = arith.constant 0 : index
      %get3A_211 = vector.load %arg5[%get3A_209, %get3A_210] : memref<8192x128xf32, #tpu.memory_space<vmem>>, vector<512x128xf32>
      %convert_element_type3A_212 = arith.truncf %get3A_211 : vector<512x128xf32> to vector<512x128xbf16>
      %swap3A_213 = arith.constant 5632 : index
      %swap3A_214 = arith.constant 0 : index
      %swap3A_215 = vector.load %arg9[%swap3A_213, %swap3A_214] : memref<8192x128xbf16, #tpu.memory_space<vmem>>, vector<512x128xbf16>
      tpu.vector_store %arg9[%swap3A_213, %swap3A_214], %convert_element_type3A_212 {strides = array<i32>} : memref<8192x128xbf16, #tpu.memory_space<vmem>>, vector<512x128xbf16>,
      %dot_general3A_216 = arith.constant dense<0.000000e+00> : vector<1024x512xf32>
      %dot_general3A_217 = tpu.matmul %convert_element_type3A_4, %convert_element_type3A_212, %dot_general3A_216 {dimension_numbers = #tpu.dot_dimension_numbers<[1], [1], [0], [0], [0, 0, 1, 0], [], []>, transpose_lhs_hint = false} : vector<1024x128xbf16>, vector<512x128xbf16>, vector<1024x512xf32> -> vector<1024x512xf32>
      %get3A_218 = arith.constant 0 : index
      %get3A_219 = arith.constant 5632 : index
      %get3A_220 = vector.load %arg6[%get3A_218, %get3A_219] : memref<1x8192xf32, #tpu.memory_space<vmem>>, vector<1x512xf32>
      %add3A_221 = vector.broadcast %get3A_220 : vector<1x512xf32> to vector<1024x512xf32>
      %add3A_222 = arith.addf %dot_general3A_217, %add3A_221 : vector<1024x512xf32>
      %exp3A_223 = math.exp %add3A_222 : vector<1024x512xf32>
      %reduce_sum3A_224 = arith.constant dense<0.000000e+00> : vector<1024xf32>
      %reduce_sum3A_225 = vector.multi_reduction <add>, %exp3A_223, %reduce_sum3A_224 [1] : vector<1024x512xf32> to vector<1024xf32>
      %broadcast_in_dim3A_226 = vector.shape_cast %reduce_sum3A_225 : vector<1024xf32> to vector<1024x1xf32>
      %get3A_227 = arith.constant 6144 : index
      %get3A_228 = arith.constant 0 : index
      %get3A_229 = vector.load %arg5[%get3A_227, %get3A_228] : memref<8192x128xf32, #tpu.memory_space<vmem>>, vector<512x128xf32>
      %convert_element_type3A_230 = arith.truncf %get3A_229 : vector<512x128xf32> to vector<512x128xbf16>
      %swap3A_231 = arith.constant 6144 : index
      %swap3A_232 = arith.constant 0 : index
      %swap3A_233 = vector.load %arg9[%swap3A_231, %swap3A_232] : memref<8192x128xbf16, #tpu.memory_space<vmem>>, vector<512x128xbf16>
      tpu.vector_store %arg9[%swap3A_231, %swap3A_232], %convert_element_type3A_230 {strides = array<i32>} : memref<8192x128xbf16, #tpu.memory_space<vmem>>, vector<512x128xbf16>,
      %dot_general3A_234 = arith.constant dense<0.000000e+00> : vector<1024x512xf32>
      %dot_general3A_235 = tpu.matmul %convert_element_type3A_4, %convert_element_type3A_230, %dot_general3A_234 {dimension_numbers = #tpu.dot_dimension_numbers<[1], [1], [0], [0], [0, 0, 1, 0], [], []>, transpose_lhs_hint = false} : vector<1024x128xbf16>, vector<512x128xbf16>, vector<1024x512xf32> -> vector<1024x512xf32>
      %get3A_236 = arith.constant 0 : index
      %get3A_237 = arith.constant 6144 : index
      %get3A_238 = vector.load %arg6[%get3A_236, %get3A_237] : memref<1x8192xf32, #tpu.memory_space<vmem>>, vector<1x512xf32>
      %add3A_239 = vector.broadcast %get3A_238 : vector<1x512xf32> to vector<1024x512xf32>
      %add3A_240 = arith.addf %dot_general3A_235, %add3A_239 : vector<1024x512xf32>
      %exp3A_241 = math.exp %add3A_240 : vector<1024x512xf32>
      %reduce_sum3A_242 = arith.constant dense<0.000000e+00> : vector<1024xf32>
      %reduce_sum3A_243 = vector.multi_reduction <add>, %exp3A_241, %reduce_sum3A_242 [1] : vector<1024x512xf32> to vector<1024xf32>
      %broadcast_in_dim3A_244 = vector.shape_cast %reduce_sum3A_243 : vector<1024xf32> to vector<1024x1xf32>
      %get3A_245 = arith.constant 6656 : index
      %get3A_246 = arith.constant 0 : index
      %get3A_247 = vector.load %arg5[%get3A_245, %get3A_246] : memref<8192x128xf32, #tpu.memory_space<vmem>>, vector<512x128xf32>
      %convert_element_type3A_248 = arith.truncf %get3A_247 : vector<512x128xf32> to vector<512x128xbf16>
      %swap3A_249 = arith.constant 6656 : index
      %swap3A_250 = arith.constant 0 : index
      %swap3A_251 = vector.load %arg9[%swap3A_249, %swap3A_250] : memref<8192x128xbf16, #tpu.memory_space<vmem>>, vector<512x128xbf16>
      tpu.vector_store %arg9[%swap3A_249, %swap3A_250], %convert_element_type3A_248 {strides = array<i32>} : memref<8192x128xbf16, #tpu.memory_space<vmem>>, vector<512x128xbf16>,
      %dot_general3A_252 = arith.constant dense<0.000000e+00> : vector<1024x512xf32>
      %dot_general3A_253 = tpu.matmul %convert_element_type3A_4, %convert_element_type3A_248, %dot_general3A_252 {dimension_numbers = #tpu.dot_dimension_numbers<[1], [1], [0], [0], [0, 0, 1, 0], [], []>, transpose_lhs_hint = false} : vector<1024x128xbf16>, vector<512x128xbf16>, vector<1024x512xf32> -> vector<1024x512xf32>
      %get3A_254 = arith.constant 0 : index
      %get3A_255 = arith.constant 6656 : index
      %get3A_256 = vector.load %arg6[%get3A_254, %get3A_255] : memref<1x8192xf32, #tpu.memory_space<vmem>>, vector<1x512xf32>
      %add3A_257 = vector.broadcast %get3A_256 : vector<1x512xf32> to vector<1024x512xf32>
      %add3A_258 = arith.addf %dot_general3A_253, %add3A_257 : vector<1024x512xf32>
      %exp3A_259 = math.exp %add3A_258 : vector<1024x512xf32>
      %reduce_sum3A_260 = arith.constant dense<0.000000e+00> : vector<1024xf32>
      %reduce_sum3A_261 = vector.multi_reduction <add>, %exp3A_259, %reduce_sum3A_260 [1] : vector<1024x512xf32> to vector<1024xf32>
      %broadcast_in_dim3A_262 = vector.shape_cast %reduce_sum3A_261 : vector<1024xf32> to vector<1024x1xf32>
      %get3A_263 = arith.constant 7168 : index
      %get3A_264 = arith.constant 0 : index
      %get3A_265 = vector.load %arg5[%get3A_263, %get3A_264] : memref<8192x128xf32, #tpu.memory_space<vmem>>, vector<512x128xf32>
      %convert_element_type3A_266 = arith.truncf %get3A_265 : vector<512x128xf32> to vector<512x128xbf16>
      %swap3A_267 = arith.constant 7168 : index
      %swap3A_268 = arith.constant 0 : index
      %swap3A_269 = vector.load %arg9[%swap3A_267, %swap3A_268] : memref<8192x128xbf16, #tpu.memory_space<vmem>>, vector<512x128xbf16>
      tpu.vector_store %arg9[%swap3A_267, %swap3A_268], %convert_element_type3A_266 {strides = array<i32>} : memref<8192x128xbf16, #tpu.memory_space<vmem>>, vector<512x128xbf16>,
      %dot_general3A_270 = arith.constant dense<0.000000e+00> : vector<1024x512xf32>
      %dot_general3A_271 = tpu.matmul %convert_element_type3A_4, %convert_element_type3A_266, %dot_general3A_270 {dimension_numbers = #tpu.dot_dimension_numbers<[1], [1], [0], [0], [0, 0, 1, 0], [], []>, transpose_lhs_hint = false} : vector<1024x128xbf16>, vector<512x128xbf16>, vector<1024x512xf32> -> vector<1024x512xf32>
      %get3A_272 = arith.constant 0 : index
      %get3A_273 = arith.constant 7168 : index
      %get3A_274 = vector.load %arg6[%get3A_272, %get3A_273] : memref<1x8192xf32, #tpu.memory_space<vmem>>, vector<1x512xf32>
      %add3A_275 = vector.broadcast %get3A_274 : vector<1x512xf32> to vector<1024x512xf32>
      %add3A_276 = arith.addf %dot_general3A_271, %add3A_275 : vector<1024x512xf32>
      %exp3A_277 = math.exp %add3A_276 : vector<1024x512xf32>
      %reduce_sum3A_278 = arith.constant dense<0.000000e+00> : vector<1024xf32>
      %reduce_sum3A_279 = vector.multi_reduction <add>, %exp3A_277, %reduce_sum3A_278 [1] : vector<1024x512xf32> to vector<1024xf32>
      %broadcast_in_dim3A_280 = vector.shape_cast %reduce_sum3A_279 : vector<1024xf32> to vector<1024x1xf32>
      %get3A_281 = arith.constant 7680 : index
      %get3A_282 = arith.constant 0 : index
      %get3A_283 = vector.load %arg5[%get3A_281, %get3A_282] : memref<8192x128xf32, #tpu.memory_space<vmem>>, vector<512x128xf32>
      %convert_element_type3A_284 = arith.truncf %get3A_283 : vector<512x128xf32> to vector<512x128xbf16>
      %swap3A_285 = arith.constant 7680 : index
      %swap3A_286 = arith.constant 0 : index
      %swap3A_287 = vector.load %arg9[%swap3A_285, %swap3A_286] : memref<8192x128xbf16, #tpu.memory_space<vmem>>, vector<512x128xbf16>
      tpu.vector_store %arg9[%swap3A_285, %swap3A_286], %convert_element_type3A_284 {strides = array<i32>} : memref<8192x128xbf16, #tpu.memory_space<vmem>>, vector<512x128xbf16>,
      %dot_general3A_288 = arith.constant dense<0.000000e+00> : vector<1024x512xf32>
      %dot_general3A_289 = tpu.matmul %convert_element_type3A_4, %convert_element_type3A_284, %dot_general3A_288 {dimension_numbers = #tpu.dot_dimension_numbers<[1], [1], [0], [0], [0, 0, 1, 0], [], []>, transpose_lhs_hint = false} : vector<1024x128xbf16>, vector<512x128xbf16>, vector<1024x512xf32> -> vector<1024x512xf32>
      %get3A_290 = arith.constant 0 : index
      %get3A_291 = arith.constant 7680 : index
      %get3A_292 = vector.load %arg6[%get3A_290, %get3A_291] : memref<1x8192xf32, #tpu.memory_space<vmem>>, vector<1x512xf32>
      %add3A_293 = vector.broadcast %get3A_292 : vector<1x512xf32> to vector<1024x512xf32>
      %add3A_294 = arith.addf %dot_general3A_289, %add3A_293 : vector<1024x512xf32>
      %exp3A_295 = math.exp %add3A_294 : vector<1024x512xf32>
      %reduce_sum3A_296 = arith.constant dense<0.000000e+00> : vector<1024xf32>
      %reduce_sum3A_297 = vector.multi_reduction <add>, %exp3A_295, %reduce_sum3A_296 [1] : vector<1024x512xf32> to vector<1024xf32>
      %broadcast_in_dim3A_298 = vector.shape_cast %reduce_sum3A_297 : vector<1024xf32> to vector<1024x1xf32>
      %add3A_299 = arith.addf %broadcast_in_dim3A, %broadcast_in_dim3A_46 : vector<1024x1xf32>
      %add3A_300 = arith.addf %add3A_299, %broadcast_in_dim3A_64 : vector<1024x1xf32>
      %add3A_301 = arith.addf %add3A_300, %broadcast_in_dim3A_82 : vector<1024x1xf32>
      %add3A_302 = arith.addf %add3A_301, %broadcast_in_dim3A_100 : vector<1024x1xf32>
      %add3A_303 = arith.addf %add3A_302, %broadcast_in_dim3A_118 : vector<1024x1xf32>
      %add3A_304 = arith.addf %add3A_303, %broadcast_in_dim3A_136 : vector<1024x1xf32>
      %add3A_305 = arith.addf %add3A_304, %broadcast_in_dim3A_154 : vector<1024x1xf32>
      %add3A_306 = arith.addf %add3A_305, %broadcast_in_dim3A_172 : vector<1024x1xf32>
      %add3A_307 = arith.addf %add3A_306, %broadcast_in_dim3A_190 : vector<1024x1xf32>
      %add3A_308 = arith.addf %add3A_307, %broadcast_in_dim3A_208 : vector<1024x1xf32>
      %add3A_309 = arith.addf %add3A_308, %broadcast_in_dim3A_226 : vector<1024x1xf32>
      %add3A_310 = arith.addf %add3A_309, %broadcast_in_dim3A_244 : vector<1024x1xf32>
      %add3A_311 = arith.addf %add3A_310, %broadcast_in_dim3A_262 : vector<1024x1xf32>
      %add3A_312 = arith.addf %add3A_311, %broadcast_in_dim3A_280 : vector<1024x1xf32>
      %add3A_313 = arith.addf %add3A_312, %broadcast_in_dim3A_298 : vector<1024x1xf32>
      %add3A_314 = arith.addf %get3A_16, %add3A_313 : vector<1024x1xf32>
      %swap3A_315 = arith.constant 0 : index
      %swap3A_316 = arith.constant 0 : index
      %swap3A_317 = vector.load %arg10[%swap3A_315, %swap3A_316] : memref<1024x1xf32, #tpu.memory_space<vmem>>, vector<1024x1xf32>
      tpu.vector_store %arg10[%swap3A_315, %swap3A_316], %add3A_314 {strides = array<i32>} : memref<1024x1xf32, #tpu.memory_space<vmem>>, vector<1024x1xf32>,
    } else {
    }
    %eq3A_9 = arith.constant 12 : i32
    %eq3A_10 = arith.cmpi eq, %arg0, %eq3A_9 : i32
    %convert_element_type3A_11 = arith.extui %eq3A_10 : i1 to i32
    %cond3A_12 = arith.constant 0 : i32
    %cond3A_13 = arith.cmpi ne, %convert_element_type3A_11, %cond3A_12 : i32
    scf.if %cond3A_13 {
      %get3A_14 = arith.constant 0 : index
      %get3A_15 = arith.constant 0 : index
      %get3A_16 = vector.load %arg10[%get3A_14, %get3A_15] : memref<1024x1xf32, #tpu.memory_space<vmem>>, vector<1024x1xf32>
      %get3A_17 = arith.constant 0 : index
      %get3A_18 = arith.constant 0 : index
      %get3A_19 = vector.load %arg5[%get3A_17, %get3A_18] : memref<8192x128xf32, #tpu.memory_space<vmem>>, vector<512x128xf32>
      %convert_element_type3A_20 = arith.truncf %get3A_19 : vector<512x128xf32> to vector<512x128xbf16>
      %swap3A = arith.constant 0 : index
      %swap3A_21 = arith.constant 0 : index
      %swap3A_22 = vector.load %arg9[%swap3A, %swap3A_21] : memref<8192x128xbf16, #tpu.memory_space<vmem>>, vector<512x128xbf16>
      tpu.vector_store %arg9[%swap3A, %swap3A_21], %convert_element_type3A_20 {strides = array<i32>} : memref<8192x128xbf16, #tpu.memory_space<vmem>>, vector<512x128xbf16>,
      %dot_general3A = arith.constant dense<0.000000e+00> : vector<1024x512xf32>
      %dot_general3A_23 = tpu.matmul %convert_element_type3A_4, %convert_element_type3A_20, %dot_general3A {dimension_numbers = #tpu.dot_dimension_numbers<[1], [1], [0], [0], [0, 0, 1, 0], [], []>, transpose_lhs_hint = false} : vector<1024x128xbf16>, vector<512x128xbf16>, vector<1024x512xf32> -> vector<1024x512xf32>
      %get3A_24 = arith.constant 0 : index
      %get3A_25 = arith.constant 0 : index
      %get3A_26 = vector.load %arg6[%get3A_24, %get3A_25] : memref<1x8192xf32, #tpu.memory_space<vmem>>, vector<1x512xf32>
      %add3A = vector.broadcast %get3A_26 : vector<1x512xf32> to vector<1024x512xf32>
      %add3A_27 = arith.addf %dot_general3A_23, %add3A : vector<1024x512xf32>
      %exp3A = math.exp %add3A_27 : vector<1024x512xf32>
      %mul3A = arith.constant 8192 : i32
      %mul3A_28 = arith.muli %arg0, %mul3A : i32
      %add3A_29 = arith.constant 0 : i32
      %add3A_30 = arith.addi %mul3A_28, %add3A_29 : i32
      %iota3A = tpu.iota {dimensions = array<i32: 1>} : vector<1x512xi32>
      %add3A_31 = vector.broadcast %add3A_30 : i32 to vector<1x512xi32>
      %add3A_32 = arith.addi %add3A_31, %iota3A : vector<1x512xi32>
      %lt3A_33 = arith.constant 100000 : i32
      %lt3A_34 = vector.broadcast %lt3A_33 : i32 to vector<1x512xi32>
      %lt3A_35 = arith.cmpi slt, %add3A_32, %lt3A_34 : vector<1x512xi32>
      %jit3A = arith.constant 0.000000e+00 : f32
      %broadcast_in_dim3A = vector.shape_cast %lt3A_35 : vector<1x512xi1> to vector<1x512xi1>
      %broadcast_in_dim3A_36 = vector.broadcast %broadcast_in_dim3A : vector<1x512xi1> to vector<1024x512xi1>
      %broadcast_in_dim3A_37 = vector.broadcast %jit3A : f32 to vector<1024x512xf32>
      %select_n3A = arith.select %broadcast_in_dim3A_36, %exp3A, %broadcast_in_dim3A_37 : vector<1024x512xi1>, vector<1024x512xf32>
      %reduce_sum3A = arith.constant dense<0.000000e+00> : vector<1024xf32>
      %reduce_sum3A_38 = vector.multi_reduction <add>, %select_n3A, %reduce_sum3A [1] : vector<1024x512xf32> to vector<1024xf32>
      %broadcast_in_dim3A_39 = vector.shape_cast %reduce_sum3A_38 : vector<1024xf32> to vector<1024x1xf32>
      %get3A_40 = arith.constant 512 : index
      %get3A_41 = arith.constant 0 : index
      %get3A_42 = vector.load %arg5[%get3A_40, %get3A_41] : memref<8192x128xf32, #tpu.memory_space<vmem>>, vector<512x128xf32>
      %convert_element_type3A_43 = arith.truncf %get3A_42 : vector<512x128xf32> to vector<512x128xbf16>
      %swap3A_44 = arith.constant 512 : index
      %swap3A_45 = arith.constant 0 : index
      %swap3A_46 = vector.load %arg9[%swap3A_44, %swap3A_45] : memref<8192x128xbf16, #tpu.memory_space<vmem>>, vector<512x128xbf16>
      tpu.vector_store %arg9[%swap3A_44, %swap3A_45], %convert_element_type3A_43 {strides = array<i32>} : memref<8192x128xbf16, #tpu.memory_space<vmem>>, vector<512x128xbf16>,
      %dot_general3A_47 = arith.constant dense<0.000000e+00> : vector<1024x512xf32>
      %dot_general3A_48 = tpu.matmul %convert_element_type3A_4, %convert_element_type3A_43, %dot_general3A_47 {dimension_numbers = #tpu.dot_dimension_numbers<[1], [1], [0], [0], [0, 0, 1, 0], [], []>, transpose_lhs_hint = false} : vector<1024x128xbf16>, vector<512x128xbf16>, vector<1024x512xf32> -> vector<1024x512xf32>
      %get3A_49 = arith.constant 0 : index
      %get3A_50 = arith.constant 512 : index
      %get3A_51 = vector.load %arg6[%get3A_49, %get3A_50] : memref<1x8192xf32, #tpu.memory_space<vmem>>, vector<1x512xf32>
      %add3A_52 = vector.broadcast %get3A_51 : vector<1x512xf32> to vector<1024x512xf32>
      %add3A_53 = arith.addf %dot_general3A_48, %add3A_52 : vector<1024x512xf32>
      %exp3A_54 = math.exp %add3A_53 : vector<1024x512xf32>
      %mul3A_55 = arith.constant 8192 : i32
      %mul3A_56 = arith.muli %arg0, %mul3A_55 : i32
      %add3A_57 = arith.constant 512 : i32
      %add3A_58 = arith.addi %mul3A_56, %add3A_57 : i32
      %iota3A_59 = tpu.iota {dimensions = array<i32: 1>} : vector<1x512xi32>
      %add3A_60 = vector.broadcast %add3A_58 : i32 to vector<1x512xi32>
      %add3A_61 = arith.addi %add3A_60, %iota3A_59 : vector<1x512xi32>
      %lt3A_62 = arith.constant 100000 : i32
      %lt3A_63 = vector.broadcast %lt3A_62 : i32 to vector<1x512xi32>
      %lt3A_64 = arith.cmpi slt, %add3A_61, %lt3A_63 : vector<1x512xi32>
      %jit3A_65 = arith.constant 0.000000e+00 : f32
      %broadcast_in_dim3A_66 = vector.shape_cast %lt3A_64 : vector<1x512xi1> to vector<1x512xi1>
      %broadcast_in_dim3A_67 = vector.broadcast %broadcast_in_dim3A_66 : vector<1x512xi1> to vector<1024x512xi1>
      %broadcast_in_dim3A_68 = vector.broadcast %jit3A_65 : f32 to vector<1024x512xf32>
      %select_n3A_69 = arith.select %broadcast_in_dim3A_67, %exp3A_54, %broadcast_in_dim3A_68 : vector<1024x512xi1>, vector<1024x512xf32>
      %reduce_sum3A_70 = arith.constant dense<0.000000e+00> : vector<1024xf32>
      %reduce_sum3A_71 = vector.multi_reduction <add>, %select_n3A_69, %reduce_sum3A_70 [1] : vector<1024x512xf32> to vector<1024xf32>
      %broadcast_in_dim3A_72 = vector.shape_cast %reduce_sum3A_71 : vector<1024xf32> to vector<1024x1xf32>
      %get3A_73 = arith.constant 1024 : index
      %get3A_74 = arith.constant 0 : index
      %get3A_75 = vector.load %arg5[%get3A_73, %get3A_74] : memref<8192x128xf32, #tpu.memory_space<vmem>>, vector<512x128xf32>
      %convert_element_type3A_76 = arith.truncf %get3A_75 : vector<512x128xf32> to vector<512x128xbf16>
      %swap3A_77 = arith.constant 1024 : index
      %swap3A_78 = arith.constant 0 : index
      %swap3A_79 = vector.load %arg9[%swap3A_77, %swap3A_78] : memref<8192x128xbf16, #tpu.memory_space<vmem>>, vector<512x128xbf16>
      tpu.vector_store %arg9[%swap3A_77, %swap3A_78], %convert_element_type3A_76 {strides = array<i32>} : memref<8192x128xbf16, #tpu.memory_space<vmem>>, vector<512x128xbf16>,
      %dot_general3A_80 = arith.constant dense<0.000000e+00> : vector<1024x512xf32>
      %dot_general3A_81 = tpu.matmul %convert_element_type3A_4, %convert_element_type3A_76, %dot_general3A_80 {dimension_numbers = #tpu.dot_dimension_numbers<[1], [1], [0], [0], [0, 0, 1, 0], [], []>, transpose_lhs_hint = false} : vector<1024x128xbf16>, vector<512x128xbf16>, vector<1024x512xf32> -> vector<1024x512xf32>
      %get3A_82 = arith.constant 0 : index
      %get3A_83 = arith.constant 1024 : index
      %get3A_84 = vector.load %arg6[%get3A_82, %get3A_83] : memref<1x8192xf32, #tpu.memory_space<vmem>>, vector<1x512xf32>
      %add3A_85 = vector.broadcast %get3A_84 : vector<1x512xf32> to vector<1024x512xf32>
      %add3A_86 = arith.addf %dot_general3A_81, %add3A_85 : vector<1024x512xf32>
      %exp3A_87 = math.exp %add3A_86 : vector<1024x512xf32>
      %mul3A_88 = arith.constant 8192 : i32
      %mul3A_89 = arith.muli %arg0, %mul3A_88 : i32
      %add3A_90 = arith.constant 1024 : i32
      %add3A_91 = arith.addi %mul3A_89, %add3A_90 : i32
      %iota3A_92 = tpu.iota {dimensions = array<i32: 1>} : vector<1x512xi32>
      %add3A_93 = vector.broadcast %add3A_91 : i32 to vector<1x512xi32>
      %add3A_94 = arith.addi %add3A_93, %iota3A_92 : vector<1x512xi32>
      %lt3A_95 = arith.constant 100000 : i32
      %lt3A_96 = vector.broadcast %lt3A_95 : i32 to vector<1x512xi32>
      %lt3A_97 = arith.cmpi slt, %add3A_94, %lt3A_96 : vector<1x512xi32>
      %jit3A_98 = arith.constant 0.000000e+00 : f32
      %broadcast_in_dim3A_99 = vector.shape_cast %lt3A_97 : vector<1x512xi1> to vector<1x512xi1>
      %broadcast_in_dim3A_100 = vector.broadcast %broadcast_in_dim3A_99 : vector<1x512xi1> to vector<1024x512xi1>
      %broadcast_in_dim3A_101 = vector.broadcast %jit3A_98 : f32 to vector<1024x512xf32>
      %select_n3A_102 = arith.select %broadcast_in_dim3A_100, %exp3A_87, %broadcast_in_dim3A_101 : vector<1024x512xi1>, vector<1024x512xf32>
      %reduce_sum3A_103 = arith.constant dense<0.000000e+00> : vector<1024xf32>
      %reduce_sum3A_104 = vector.multi_reduction <add>, %select_n3A_102, %reduce_sum3A_103 [1] : vector<1024x512xf32> to vector<1024xf32>
      %broadcast_in_dim3A_105 = vector.shape_cast %reduce_sum3A_104 : vector<1024xf32> to vector<1024x1xf32>
      %get3A_106 = arith.constant 1536 : index
      %get3A_107 = arith.constant 0 : index
      %get3A_108 = vector.load %arg5[%get3A_106, %get3A_107] : memref<8192x128xf32, #tpu.memory_space<vmem>>, vector<512x128xf32>
      %convert_element_type3A_109 = arith.truncf %get3A_108 : vector<512x128xf32> to vector<512x128xbf16>
      %swap3A_110 = arith.constant 1536 : index
      %swap3A_111 = arith.constant 0 : index
      %swap3A_112 = vector.load %arg9[%swap3A_110, %swap3A_111] : memref<8192x128xbf16, #tpu.memory_space<vmem>>, vector<512x128xbf16>
      tpu.vector_store %arg9[%swap3A_110, %swap3A_111], %convert_element_type3A_109 {strides = array<i32>} : memref<8192x128xbf16, #tpu.memory_space<vmem>>, vector<512x128xbf16>,
      %dot_general3A_113 = arith.constant dense<0.000000e+00> : vector<1024x512xf32>
      %dot_general3A_114 = tpu.matmul %convert_element_type3A_4, %convert_element_type3A_109, %dot_general3A_113 {dimension_numbers = #tpu.dot_dimension_numbers<[1], [1], [0], [0], [0, 0, 1, 0], [], []>, transpose_lhs_hint = false} : vector<1024x128xbf16>, vector<512x128xbf16>, vector<1024x512xf32> -> vector<1024x512xf32>
      %get3A_115 = arith.constant 0 : index
      %get3A_116 = arith.constant 1536 : index
      %get3A_117 = vector.load %arg6[%get3A_115, %get3A_116] : memref<1x8192xf32, #tpu.memory_space<vmem>>, vector<1x512xf32>
      %add3A_118 = vector.broadcast %get3A_117 : vector<1x512xf32> to vector<1024x512xf32>
      %add3A_119 = arith.addf %dot_general3A_114, %add3A_118 : vector<1024x512xf32>
      %exp3A_120 = math.exp %add3A_119 : vector<1024x512xf32>
      %mul3A_121 = arith.constant 8192 : i32
      %mul3A_122 = arith.muli %arg0, %mul3A_121 : i32
      %add3A_123 = arith.constant 1536 : i32
      %add3A_124 = arith.addi %mul3A_122, %add3A_123 : i32
      %iota3A_125 = tpu.iota {dimensions = array<i32: 1>} : vector<1x512xi32>
      %add3A_126 = vector.broadcast %add3A_124 : i32 to vector<1x512xi32>
      %add3A_127 = arith.addi %add3A_126, %iota3A_125 : vector<1x512xi32>
      %lt3A_128 = arith.constant 100000 : i32
      %lt3A_129 = vector.broadcast %lt3A_128 : i32 to vector<1x512xi32>
      %lt3A_130 = arith.cmpi slt, %add3A_127, %lt3A_129 : vector<1x512xi32>
      %jit3A_131 = arith.constant 0.000000e+00 : f32
      %broadcast_in_dim3A_132 = vector.shape_cast %lt3A_130 : vector<1x512xi1> to vector<1x512xi1>
      %broadcast_in_dim3A_133 = vector.broadcast %broadcast_in_dim3A_132 : vector<1x512xi1> to vector<1024x512xi1>
      %broadcast_in_dim3A_134 = vector.broadcast %jit3A_131 : f32 to vector<1024x512xf32>
      %select_n3A_135 = arith.select %broadcast_in_dim3A_133, %exp3A_120, %broadcast_in_dim3A_134 : vector<1024x512xi1>, vector<1024x512xf32>
      %reduce_sum3A_136 = arith.constant dense<0.000000e+00> : vector<1024xf32>
      %reduce_sum3A_137 = vector.multi_reduction <add>, %select_n3A_135, %reduce_sum3A_136 [1] : vector<1024x512xf32> to vector<1024xf32>
      %broadcast_in_dim3A_138 = vector.shape_cast %reduce_sum3A_137 : vector<1024xf32> to vector<1024x1xf32>
      %get3A_139 = arith.constant 2048 : index
      %get3A_140 = arith.constant 0 : index
      %get3A_141 = vector.load %arg5[%get3A_139, %get3A_140] : memref<8192x128xf32, #tpu.memory_space<vmem>>, vector<512x128xf32>
      %convert_element_type3A_142 = arith.truncf %get3A_141 : vector<512x128xf32> to vector<512x128xbf16>
      %swap3A_143 = arith.constant 2048 : index
      %swap3A_144 = arith.constant 0 : index
      %swap3A_145 = vector.load %arg9[%swap3A_143, %swap3A_144] : memref<8192x128xbf16, #tpu.memory_space<vmem>>, vector<512x128xbf16>
      tpu.vector_store %arg9[%swap3A_143, %swap3A_144], %convert_element_type3A_142 {strides = array<i32>} : memref<8192x128xbf16, #tpu.memory_space<vmem>>, vector<512x128xbf16>,
      %dot_general3A_146 = arith.constant dense<0.000000e+00> : vector<1024x512xf32>
      %dot_general3A_147 = tpu.matmul %convert_element_type3A_4, %convert_element_type3A_142, %dot_general3A_146 {dimension_numbers = #tpu.dot_dimension_numbers<[1], [1], [0], [0], [0, 0, 1, 0], [], []>, transpose_lhs_hint = false} : vector<1024x128xbf16>, vector<512x128xbf16>, vector<1024x512xf32> -> vector<1024x512xf32>
      %get3A_148 = arith.constant 0 : index
      %get3A_149 = arith.constant 2048 : index
      %get3A_150 = vector.load %arg6[%get3A_148, %get3A_149] : memref<1x8192xf32, #tpu.memory_space<vmem>>, vector<1x512xf32>
      %add3A_151 = vector.broadcast %get3A_150 : vector<1x512xf32> to vector<1024x512xf32>
      %add3A_152 = arith.addf %dot_general3A_147, %add3A_151 : vector<1024x512xf32>
      %exp3A_153 = math.exp %add3A_152 : vector<1024x512xf32>
      %mul3A_154 = arith.constant 8192 : i32
      %mul3A_155 = arith.muli %arg0, %mul3A_154 : i32
      %add3A_156 = arith.constant 2048 : i32
      %add3A_157 = arith.addi %mul3A_155, %add3A_156 : i32
      %iota3A_158 = tpu.iota {dimensions = array<i32: 1>} : vector<1x512xi32>
      %add3A_159 = vector.broadcast %add3A_157 : i32 to vector<1x512xi32>
      %add3A_160 = arith.addi %add3A_159, %iota3A_158 : vector<1x512xi32>
      %lt3A_161 = arith.constant 100000 : i32
      %lt3A_162 = vector.broadcast %lt3A_161 : i32 to vector<1x512xi32>
      %lt3A_163 = arith.cmpi slt, %add3A_160, %lt3A_162 : vector<1x512xi32>
      %jit3A_164 = arith.constant 0.000000e+00 : f32
      %broadcast_in_dim3A_165 = vector.shape_cast %lt3A_163 : vector<1x512xi1> to vector<1x512xi1>
      %broadcast_in_dim3A_166 = vector.broadcast %broadcast_in_dim3A_165 : vector<1x512xi1> to vector<1024x512xi1>
      %broadcast_in_dim3A_167 = vector.broadcast %jit3A_164 : f32 to vector<1024x512xf32>
      %select_n3A_168 = arith.select %broadcast_in_dim3A_166, %exp3A_153, %broadcast_in_dim3A_167 : vector<1024x512xi1>, vector<1024x512xf32>
      %reduce_sum3A_169 = arith.constant dense<0.000000e+00> : vector<1024xf32>
      %reduce_sum3A_170 = vector.multi_reduction <add>, %select_n3A_168, %reduce_sum3A_169 [1] : vector<1024x512xf32> to vector<1024xf32>
      %broadcast_in_dim3A_171 = vector.shape_cast %reduce_sum3A_170 : vector<1024xf32> to vector<1024x1xf32>
      %get3A_172 = arith.constant 2560 : index
      %get3A_173 = arith.constant 0 : index
      %get3A_174 = vector.load %arg5[%get3A_172, %get3A_173] : memref<8192x128xf32, #tpu.memory_space<vmem>>, vector<512x128xf32>
      %convert_element_type3A_175 = arith.truncf %get3A_174 : vector<512x128xf32> to vector<512x128xbf16>
      %swap3A_176 = arith.constant 2560 : index
      %swap3A_177 = arith.constant 0 : index
      %swap3A_178 = vector.load %arg9[%swap3A_176, %swap3A_177] : memref<8192x128xbf16, #tpu.memory_space<vmem>>, vector<512x128xbf16>
      tpu.vector_store %arg9[%swap3A_176, %swap3A_177], %convert_element_type3A_175 {strides = array<i32>} : memref<8192x128xbf16, #tpu.memory_space<vmem>>, vector<512x128xbf16>,
      %dot_general3A_179 = arith.constant dense<0.000000e+00> : vector<1024x512xf32>
      %dot_general3A_180 = tpu.matmul %convert_element_type3A_4, %convert_element_type3A_175, %dot_general3A_179 {dimension_numbers = #tpu.dot_dimension_numbers<[1], [1], [0], [0], [0, 0, 1, 0], [], []>, transpose_lhs_hint = false} : vector<1024x128xbf16>, vector<512x128xbf16>, vector<1024x512xf32> -> vector<1024x512xf32>
      %get3A_181 = arith.constant 0 : index
      %get3A_182 = arith.constant 2560 : index
      %get3A_183 = vector.load %arg6[%get3A_181, %get3A_182] : memref<1x8192xf32, #tpu.memory_space<vmem>>, vector<1x512xf32>
      %add3A_184 = vector.broadcast %get3A_183 : vector<1x512xf32> to vector<1024x512xf32>
      %add3A_185 = arith.addf %dot_general3A_180, %add3A_184 : vector<1024x512xf32>
      %exp3A_186 = math.exp %add3A_185 : vector<1024x512xf32>
      %mul3A_187 = arith.constant 8192 : i32
      %mul3A_188 = arith.muli %arg0, %mul3A_187 : i32
      %add3A_189 = arith.constant 2560 : i32
      %add3A_190 = arith.addi %mul3A_188, %add3A_189 : i32
      %iota3A_191 = tpu.iota {dimensions = array<i32: 1>} : vector<1x512xi32>
      %add3A_192 = vector.broadcast %add3A_190 : i32 to vector<1x512xi32>
      %add3A_193 = arith.addi %add3A_192, %iota3A_191 : vector<1x512xi32>
      %lt3A_194 = arith.constant 100000 : i32
      %lt3A_195 = vector.broadcast %lt3A_194 : i32 to vector<1x512xi32>
      %lt3A_196 = arith.cmpi slt, %add3A_193, %lt3A_195 : vector<1x512xi32>
      %jit3A_197 = arith.constant 0.000000e+00 : f32
      %broadcast_in_dim3A_198 = vector.shape_cast %lt3A_196 : vector<1x512xi1> to vector<1x512xi1>
      %broadcast_in_dim3A_199 = vector.broadcast %broadcast_in_dim3A_198 : vector<1x512xi1> to vector<1024x512xi1>
      %broadcast_in_dim3A_200 = vector.broadcast %jit3A_197 : f32 to vector<1024x512xf32>
      %select_n3A_201 = arith.select %broadcast_in_dim3A_199, %exp3A_186, %broadcast_in_dim3A_200 : vector<1024x512xi1>, vector<1024x512xf32>
      %reduce_sum3A_202 = arith.constant dense<0.000000e+00> : vector<1024xf32>
      %reduce_sum3A_203 = vector.multi_reduction <add>, %select_n3A_201, %reduce_sum3A_202 [1] : vector<1024x512xf32> to vector<1024xf32>
      %broadcast_in_dim3A_204 = vector.shape_cast %reduce_sum3A_203 : vector<1024xf32> to vector<1024x1xf32>
      %get3A_205 = arith.constant 3072 : index
      %get3A_206 = arith.constant 0 : index
      %get3A_207 = vector.load %arg5[%get3A_205, %get3A_206] : memref<8192x128xf32, #tpu.memory_space<vmem>>, vector<512x128xf32>
      %convert_element_type3A_208 = arith.truncf %get3A_207 : vector<512x128xf32> to vector<512x128xbf16>
      %swap3A_209 = arith.constant 3072 : index
      %swap3A_210 = arith.constant 0 : index
      %swap3A_211 = vector.load %arg9[%swap3A_209, %swap3A_210] : memref<8192x128xbf16, #tpu.memory_space<vmem>>, vector<512x128xbf16>
      tpu.vector_store %arg9[%swap3A_209, %swap3A_210], %convert_element_type3A_208 {strides = array<i32>} : memref<8192x128xbf16, #tpu.memory_space<vmem>>, vector<512x128xbf16>,
      %dot_general3A_212 = arith.constant dense<0.000000e+00> : vector<1024x512xf32>
      %dot_general3A_213 = tpu.matmul %convert_element_type3A_4, %convert_element_type3A_208, %dot_general3A_212 {dimension_numbers = #tpu.dot_dimension_numbers<[1], [1], [0], [0], [0, 0, 1, 0], [], []>, transpose_lhs_hint = false} : vector<1024x128xbf16>, vector<512x128xbf16>, vector<1024x512xf32> -> vector<1024x512xf32>
      %get3A_214 = arith.constant 0 : index
      %get3A_215 = arith.constant 3072 : index
      %get3A_216 = vector.load %arg6[%get3A_214, %get3A_215] : memref<1x8192xf32, #tpu.memory_space<vmem>>, vector<1x512xf32>
      %add3A_217 = vector.broadcast %get3A_216 : vector<1x512xf32> to vector<1024x512xf32>
      %add3A_218 = arith.addf %dot_general3A_213, %add3A_217 : vector<1024x512xf32>
      %exp3A_219 = math.exp %add3A_218 : vector<1024x512xf32>
      %mul3A_220 = arith.constant 8192 : i32
      %mul3A_221 = arith.muli %arg0, %mul3A_220 : i32
      %add3A_222 = arith.constant 3072 : i32
      %add3A_223 = arith.addi %mul3A_221, %add3A_222 : i32
      %iota3A_224 = tpu.iota {dimensions = array<i32: 1>} : vector<1x512xi32>
      %add3A_225 = vector.broadcast %add3A_223 : i32 to vector<1x512xi32>
      %add3A_226 = arith.addi %add3A_225, %iota3A_224 : vector<1x512xi32>
      %lt3A_227 = arith.constant 100000 : i32
      %lt3A_228 = vector.broadcast %lt3A_227 : i32 to vector<1x512xi32>
      %lt3A_229 = arith.cmpi slt, %add3A_226, %lt3A_228 : vector<1x512xi32>
      %jit3A_230 = arith.constant 0.000000e+00 : f32
      %broadcast_in_dim3A_231 = vector.shape_cast %lt3A_229 : vector<1x512xi1> to vector<1x512xi1>
      %broadcast_in_dim3A_232 = vector.broadcast %broadcast_in_dim3A_231 : vector<1x512xi1> to vector<1024x512xi1>
      %broadcast_in_dim3A_233 = vector.broadcast %jit3A_230 : f32 to vector<1024x512xf32>
      %select_n3A_234 = arith.select %broadcast_in_dim3A_232, %exp3A_219, %broadcast_in_dim3A_233 : vector<1024x512xi1>, vector<1024x512xf32>
      %reduce_sum3A_235 = arith.constant dense<0.000000e+00> : vector<1024xf32>
      %reduce_sum3A_236 = vector.multi_reduction <add>, %select_n3A_234, %reduce_sum3A_235 [1] : vector<1024x512xf32> to vector<1024xf32>
      %broadcast_in_dim3A_237 = vector.shape_cast %reduce_sum3A_236 : vector<1024xf32> to vector<1024x1xf32>
      %get3A_238 = arith.constant 3584 : index
      %get3A_239 = arith.constant 0 : index
      %get3A_240 = vector.load %arg5[%get3A_238, %get3A_239] : memref<8192x128xf32, #tpu.memory_space<vmem>>, vector<512x128xf32>
      %convert_element_type3A_241 = arith.truncf %get3A_240 : vector<512x128xf32> to vector<512x128xbf16>
      %swap3A_242 = arith.constant 3584 : index
      %swap3A_243 = arith.constant 0 : index
      %swap3A_244 = vector.load %arg9[%swap3A_242, %swap3A_243] : memref<8192x128xbf16, #tpu.memory_space<vmem>>, vector<512x128xbf16>
      tpu.vector_store %arg9[%swap3A_242, %swap3A_243], %convert_element_type3A_241 {strides = array<i32>} : memref<8192x128xbf16, #tpu.memory_space<vmem>>, vector<512x128xbf16>,
      %dot_general3A_245 = arith.constant dense<0.000000e+00> : vector<1024x512xf32>
      %dot_general3A_246 = tpu.matmul %convert_element_type3A_4, %convert_element_type3A_241, %dot_general3A_245 {dimension_numbers = #tpu.dot_dimension_numbers<[1], [1], [0], [0], [0, 0, 1, 0], [], []>, transpose_lhs_hint = false} : vector<1024x128xbf16>, vector<512x128xbf16>, vector<1024x512xf32> -> vector<1024x512xf32>
      %get3A_247 = arith.constant 0 : index
      %get3A_248 = arith.constant 3584 : index
      %get3A_249 = vector.load %arg6[%get3A_247, %get3A_248] : memref<1x8192xf32, #tpu.memory_space<vmem>>, vector<1x512xf32>
      %add3A_250 = vector.broadcast %get3A_249 : vector<1x512xf32> to vector<1024x512xf32>
      %add3A_251 = arith.addf %dot_general3A_246, %add3A_250 : vector<1024x512xf32>
      %exp3A_252 = math.exp %add3A_251 : vector<1024x512xf32>
      %mul3A_253 = arith.constant 8192 : i32
      %mul3A_254 = arith.muli %arg0, %mul3A_253 : i32
      %add3A_255 = arith.constant 3584 : i32
      %add3A_256 = arith.addi %mul3A_254, %add3A_255 : i32
      %iota3A_257 = tpu.iota {dimensions = array<i32: 1>} : vector<1x512xi32>
      %add3A_258 = vector.broadcast %add3A_256 : i32 to vector<1x512xi32>
      %add3A_259 = arith.addi %add3A_258, %iota3A_257 : vector<1x512xi32>
      %lt3A_260 = arith.constant 100000 : i32
      %lt3A_261 = vector.broadcast %lt3A_260 : i32 to vector<1x512xi32>
      %lt3A_262 = arith.cmpi slt, %add3A_259, %lt3A_261 : vector<1x512xi32>
      %jit3A_263 = arith.constant 0.000000e+00 : f32
      %broadcast_in_dim3A_264 = vector.shape_cast %lt3A_262 : vector<1x512xi1> to vector<1x512xi1>
      %broadcast_in_dim3A_265 = vector.broadcast %broadcast_in_dim3A_264 : vector<1x512xi1> to vector<1024x512xi1>
      %broadcast_in_dim3A_266 = vector.broadcast %jit3A_263 : f32 to vector<1024x512xf32>
      %select_n3A_267 = arith.select %broadcast_in_dim3A_265, %exp3A_252, %broadcast_in_dim3A_266 : vector<1024x512xi1>, vector<1024x512xf32>
      %reduce_sum3A_268 = arith.constant dense<0.000000e+00> : vector<1024xf32>
      %reduce_sum3A_269 = vector.multi_reduction <add>, %select_n3A_267, %reduce_sum3A_268 [1] : vector<1024x512xf32> to vector<1024xf32>
      %broadcast_in_dim3A_270 = vector.shape_cast %reduce_sum3A_269 : vector<1024xf32> to vector<1024x1xf32>
      %get3A_271 = arith.constant 4096 : index
      %get3A_272 = arith.constant 0 : index
      %get3A_273 = vector.load %arg5[%get3A_271, %get3A_272] : memref<8192x128xf32, #tpu.memory_space<vmem>>, vector<512x128xf32>
      %convert_element_type3A_274 = arith.truncf %get3A_273 : vector<512x128xf32> to vector<512x128xbf16>
      %swap3A_275 = arith.constant 4096 : index
      %swap3A_276 = arith.constant 0 : index
      %swap3A_277 = vector.load %arg9[%swap3A_275, %swap3A_276] : memref<8192x128xbf16, #tpu.memory_space<vmem>>, vector<512x128xbf16>
      tpu.vector_store %arg9[%swap3A_275, %swap3A_276], %convert_element_type3A_274 {strides = array<i32>} : memref<8192x128xbf16, #tpu.memory_space<vmem>>, vector<512x128xbf16>,
      %dot_general3A_278 = arith.constant dense<0.000000e+00> : vector<1024x512xf32>
      %dot_general3A_279 = tpu.matmul %convert_element_type3A_4, %convert_element_type3A_274, %dot_general3A_278 {dimension_numbers = #tpu.dot_dimension_numbers<[1], [1], [0], [0], [0, 0, 1, 0], [], []>, transpose_lhs_hint = false} : vector<1024x128xbf16>, vector<512x128xbf16>, vector<1024x512xf32> -> vector<1024x512xf32>
      %get3A_280 = arith.constant 0 : index
      %get3A_281 = arith.constant 4096 : index
      %get3A_282 = vector.load %arg6[%get3A_280, %get3A_281] : memref<1x8192xf32, #tpu.memory_space<vmem>>, vector<1x512xf32>
      %add3A_283 = vector.broadcast %get3A_282 : vector<1x512xf32> to vector<1024x512xf32>
      %add3A_284 = arith.addf %dot_general3A_279, %add3A_283 : vector<1024x512xf32>
      %exp3A_285 = math.exp %add3A_284 : vector<1024x512xf32>
      %mul3A_286 = arith.constant 8192 : i32
      %mul3A_287 = arith.muli %arg0, %mul3A_286 : i32
      %add3A_288 = arith.constant 4096 : i32
      %add3A_289 = arith.addi %mul3A_287, %add3A_288 : i32
      %iota3A_290 = tpu.iota {dimensions = array<i32: 1>} : vector<1x512xi32>
      %add3A_291 = vector.broadcast %add3A_289 : i32 to vector<1x512xi32>
      %add3A_292 = arith.addi %add3A_291, %iota3A_290 : vector<1x512xi32>
      %lt3A_293 = arith.constant 100000 : i32
      %lt3A_294 = vector.broadcast %lt3A_293 : i32 to vector<1x512xi32>
      %lt3A_295 = arith.cmpi slt, %add3A_292, %lt3A_294 : vector<1x512xi32>
      %jit3A_296 = arith.constant 0.000000e+00 : f32
      %broadcast_in_dim3A_297 = vector.shape_cast %lt3A_295 : vector<1x512xi1> to vector<1x512xi1>
      %broadcast_in_dim3A_298 = vector.broadcast %broadcast_in_dim3A_297 : vector<1x512xi1> to vector<1024x512xi1>
      %broadcast_in_dim3A_299 = vector.broadcast %jit3A_296 : f32 to vector<1024x512xf32>
      %select_n3A_300 = arith.select %broadcast_in_dim3A_298, %exp3A_285, %broadcast_in_dim3A_299 : vector<1024x512xi1>, vector<1024x512xf32>
      %reduce_sum3A_301 = arith.constant dense<0.000000e+00> : vector<1024xf32>
      %reduce_sum3A_302 = vector.multi_reduction <add>, %select_n3A_300, %reduce_sum3A_301 [1] : vector<1024x512xf32> to vector<1024xf32>
      %broadcast_in_dim3A_303 = vector.shape_cast %reduce_sum3A_302 : vector<1024xf32> to vector<1024x1xf32>
      %get3A_304 = arith.constant 4608 : index
      %get3A_305 = arith.constant 0 : index
      %get3A_306 = vector.load %arg5[%get3A_304, %get3A_305] : memref<8192x128xf32, #tpu.memory_space<vmem>>, vector<512x128xf32>
      %convert_element_type3A_307 = arith.truncf %get3A_306 : vector<512x128xf32> to vector<512x128xbf16>
      %swap3A_308 = arith.constant 4608 : index
      %swap3A_309 = arith.constant 0 : index
      %swap3A_310 = vector.load %arg9[%swap3A_308, %swap3A_309] : memref<8192x128xbf16, #tpu.memory_space<vmem>>, vector<512x128xbf16>
      tpu.vector_store %arg9[%swap3A_308, %swap3A_309], %convert_element_type3A_307 {strides = array<i32>} : memref<8192x128xbf16, #tpu.memory_space<vmem>>, vector<512x128xbf16>,
      %dot_general3A_311 = arith.constant dense<0.000000e+00> : vector<1024x512xf32>
      %dot_general3A_312 = tpu.matmul %convert_element_type3A_4, %convert_element_type3A_307, %dot_general3A_311 {dimension_numbers = #tpu.dot_dimension_numbers<[1], [1], [0], [0], [0, 0, 1, 0], [], []>, transpose_lhs_hint = false} : vector<1024x128xbf16>, vector<512x128xbf16>, vector<1024x512xf32> -> vector<1024x512xf32>
      %get3A_313 = arith.constant 0 : index
      %get3A_314 = arith.constant 4608 : index
      %get3A_315 = vector.load %arg6[%get3A_313, %get3A_314] : memref<1x8192xf32, #tpu.memory_space<vmem>>, vector<1x512xf32>
      %add3A_316 = vector.broadcast %get3A_315 : vector<1x512xf32> to vector<1024x512xf32>
      %add3A_317 = arith.addf %dot_general3A_312, %add3A_316 : vector<1024x512xf32>
      %exp3A_318 = math.exp %add3A_317 : vector<1024x512xf32>
      %mul3A_319 = arith.constant 8192 : i32
      %mul3A_320 = arith.muli %arg0, %mul3A_319 : i32
      %add3A_321 = arith.constant 4608 : i32
      %add3A_322 = arith.addi %mul3A_320, %add3A_321 : i32
      %iota3A_323 = tpu.iota {dimensions = array<i32: 1>} : vector<1x512xi32>
      %add3A_324 = vector.broadcast %add3A_322 : i32 to vector<1x512xi32>
      %add3A_325 = arith.addi %add3A_324, %iota3A_323 : vector<1x512xi32>
      %lt3A_326 = arith.constant 100000 : i32
      %lt3A_327 = vector.broadcast %lt3A_326 : i32 to vector<1x512xi32>
      %lt3A_328 = arith.cmpi slt, %add3A_325, %lt3A_327 : vector<1x512xi32>
      %jit3A_329 = arith.constant 0.000000e+00 : f32
      %broadcast_in_dim3A_330 = vector.shape_cast %lt3A_328 : vector<1x512xi1> to vector<1x512xi1>
      %broadcast_in_dim3A_331 = vector.broadcast %broadcast_in_dim3A_330 : vector<1x512xi1> to vector<1024x512xi1>
      %broadcast_in_dim3A_332 = vector.broadcast %jit3A_329 : f32 to vector<1024x512xf32>
      %select_n3A_333 = arith.select %broadcast_in_dim3A_331, %exp3A_318, %broadcast_in_dim3A_332 : vector<1024x512xi1>, vector<1024x512xf32>
      %reduce_sum3A_334 = arith.constant dense<0.000000e+00> : vector<1024xf32>
      %reduce_sum3A_335 = vector.multi_reduction <add>, %select_n3A_333, %reduce_sum3A_334 [1] : vector<1024x512xf32> to vector<1024xf32>
      %broadcast_in_dim3A_336 = vector.shape_cast %reduce_sum3A_335 : vector<1024xf32> to vector<1024x1xf32>
      %get3A_337 = arith.constant 5120 : index
      %get3A_338 = arith.constant 0 : index
      %get3A_339 = vector.load %arg5[%get3A_337, %get3A_338] : memref<8192x128xf32, #tpu.memory_space<vmem>>, vector<512x128xf32>
      %convert_element_type3A_340 = arith.truncf %get3A_339 : vector<512x128xf32> to vector<512x128xbf16>
      %swap3A_341 = arith.constant 5120 : index
      %swap3A_342 = arith.constant 0 : index
      %swap3A_343 = vector.load %arg9[%swap3A_341, %swap3A_342] : memref<8192x128xbf16, #tpu.memory_space<vmem>>, vector<512x128xbf16>
      tpu.vector_store %arg9[%swap3A_341, %swap3A_342], %convert_element_type3A_340 {strides = array<i32>} : memref<8192x128xbf16, #tpu.memory_space<vmem>>, vector<512x128xbf16>,
      %dot_general3A_344 = arith.constant dense<0.000000e+00> : vector<1024x512xf32>
      %dot_general3A_345 = tpu.matmul %convert_element_type3A_4, %convert_element_type3A_340, %dot_general3A_344 {dimension_numbers = #tpu.dot_dimension_numbers<[1], [1], [0], [0], [0, 0, 1, 0], [], []>, transpose_lhs_hint = false} : vector<1024x128xbf16>, vector<512x128xbf16>, vector<1024x512xf32> -> vector<1024x512xf32>
      %get3A_346 = arith.constant 0 : index
      %get3A_347 = arith.constant 5120 : index
      %get3A_348 = vector.load %arg6[%get3A_346, %get3A_347] : memref<1x8192xf32, #tpu.memory_space<vmem>>, vector<1x512xf32>
      %add3A_349 = vector.broadcast %get3A_348 : vector<1x512xf32> to vector<1024x512xf32>
      %add3A_350 = arith.addf %dot_general3A_345, %add3A_349 : vector<1024x512xf32>
      %exp3A_351 = math.exp %add3A_350 : vector<1024x512xf32>
      %mul3A_352 = arith.constant 8192 : i32
      %mul3A_353 = arith.muli %arg0, %mul3A_352 : i32
      %add3A_354 = arith.constant 5120 : i32
      %add3A_355 = arith.addi %mul3A_353, %add3A_354 : i32
      %iota3A_356 = tpu.iota {dimensions = array<i32: 1>} : vector<1x512xi32>
      %add3A_357 = vector.broadcast %add3A_355 : i32 to vector<1x512xi32>
      %add3A_358 = arith.addi %add3A_357, %iota3A_356 : vector<1x512xi32>
      %lt3A_359 = arith.constant 100000 : i32
      %lt3A_360 = vector.broadcast %lt3A_359 : i32 to vector<1x512xi32>
      %lt3A_361 = arith.cmpi slt, %add3A_358, %lt3A_360 : vector<1x512xi32>
      %jit3A_362 = arith.constant 0.000000e+00 : f32
      %broadcast_in_dim3A_363 = vector.shape_cast %lt3A_361 : vector<1x512xi1> to vector<1x512xi1>
      %broadcast_in_dim3A_364 = vector.broadcast %broadcast_in_dim3A_363 : vector<1x512xi1> to vector<1024x512xi1>
      %broadcast_in_dim3A_365 = vector.broadcast %jit3A_362 : f32 to vector<1024x512xf32>
      %select_n3A_366 = arith.select %broadcast_in_dim3A_364, %exp3A_351, %broadcast_in_dim3A_365 : vector<1024x512xi1>, vector<1024x512xf32>
      %reduce_sum3A_367 = arith.constant dense<0.000000e+00> : vector<1024xf32>
      %reduce_sum3A_368 = vector.multi_reduction <add>, %select_n3A_366, %reduce_sum3A_367 [1] : vector<1024x512xf32> to vector<1024xf32>
      %broadcast_in_dim3A_369 = vector.shape_cast %reduce_sum3A_368 : vector<1024xf32> to vector<1024x1xf32>
      %get3A_370 = arith.constant 5632 : index
      %get3A_371 = arith.constant 0 : index
      %get3A_372 = vector.load %arg5[%get3A_370, %get3A_371] : memref<8192x128xf32, #tpu.memory_space<vmem>>, vector<512x128xf32>
      %convert_element_type3A_373 = arith.truncf %get3A_372 : vector<512x128xf32> to vector<512x128xbf16>
      %swap3A_374 = arith.constant 5632 : index
      %swap3A_375 = arith.constant 0 : index
      %swap3A_376 = vector.load %arg9[%swap3A_374, %swap3A_375] : memref<8192x128xbf16, #tpu.memory_space<vmem>>, vector<512x128xbf16>
      tpu.vector_store %arg9[%swap3A_374, %swap3A_375], %convert_element_type3A_373 {strides = array<i32>} : memref<8192x128xbf16, #tpu.memory_space<vmem>>, vector<512x128xbf16>,
      %dot_general3A_377 = arith.constant dense<0.000000e+00> : vector<1024x512xf32>
      %dot_general3A_378 = tpu.matmul %convert_element_type3A_4, %convert_element_type3A_373, %dot_general3A_377 {dimension_numbers = #tpu.dot_dimension_numbers<[1], [1], [0], [0], [0, 0, 1, 0], [], []>, transpose_lhs_hint = false} : vector<1024x128xbf16>, vector<512x128xbf16>, vector<1024x512xf32> -> vector<1024x512xf32>
      %get3A_379 = arith.constant 0 : index
      %get3A_380 = arith.constant 5632 : index
      %get3A_381 = vector.load %arg6[%get3A_379, %get3A_380] : memref<1x8192xf32, #tpu.memory_space<vmem>>, vector<1x512xf32>
      %add3A_382 = vector.broadcast %get3A_381 : vector<1x512xf32> to vector<1024x512xf32>
      %add3A_383 = arith.addf %dot_general3A_378, %add3A_382 : vector<1024x512xf32>
      %exp3A_384 = math.exp %add3A_383 : vector<1024x512xf32>
      %mul3A_385 = arith.constant 8192 : i32
      %mul3A_386 = arith.muli %arg0, %mul3A_385 : i32
      %add3A_387 = arith.constant 5632 : i32
      %add3A_388 = arith.addi %mul3A_386, %add3A_387 : i32
      %iota3A_389 = tpu.iota {dimensions = array<i32: 1>} : vector<1x512xi32>
      %add3A_390 = vector.broadcast %add3A_388 : i32 to vector<1x512xi32>
      %add3A_391 = arith.addi %add3A_390, %iota3A_389 : vector<1x512xi32>
      %lt3A_392 = arith.constant 100000 : i32
      %lt3A_393 = vector.broadcast %lt3A_392 : i32 to vector<1x512xi32>
      %lt3A_394 = arith.cmpi slt, %add3A_391, %lt3A_393 : vector<1x512xi32>
      %jit3A_395 = arith.constant 0.000000e+00 : f32
      %broadcast_in_dim3A_396 = vector.shape_cast %lt3A_394 : vector<1x512xi1> to vector<1x512xi1>
      %broadcast_in_dim3A_397 = vector.broadcast %broadcast_in_dim3A_396 : vector<1x512xi1> to vector<1024x512xi1>
      %broadcast_in_dim3A_398 = vector.broadcast %jit3A_395 : f32 to vector<1024x512xf32>
      %select_n3A_399 = arith.select %broadcast_in_dim3A_397, %exp3A_384, %broadcast_in_dim3A_398 : vector<1024x512xi1>, vector<1024x512xf32>
      %reduce_sum3A_400 = arith.constant dense<0.000000e+00> : vector<1024xf32>
      %reduce_sum3A_401 = vector.multi_reduction <add>, %select_n3A_399, %reduce_sum3A_400 [1] : vector<1024x512xf32> to vector<1024xf32>
      %broadcast_in_dim3A_402 = vector.shape_cast %reduce_sum3A_401 : vector<1024xf32> to vector<1024x1xf32>
      %get3A_403 = arith.constant 6144 : index
      %get3A_404 = arith.constant 0 : index
      %get3A_405 = vector.load %arg5[%get3A_403, %get3A_404] : memref<8192x128xf32, #tpu.memory_space<vmem>>, vector<512x128xf32>
      %convert_element_type3A_406 = arith.truncf %get3A_405 : vector<512x128xf32> to vector<512x128xbf16>
      %swap3A_407 = arith.constant 6144 : index
      %swap3A_408 = arith.constant 0 : index
      %swap3A_409 = vector.load %arg9[%swap3A_407, %swap3A_408] : memref<8192x128xbf16, #tpu.memory_space<vmem>>, vector<512x128xbf16>
      tpu.vector_store %arg9[%swap3A_407, %swap3A_408], %convert_element_type3A_406 {strides = array<i32>} : memref<8192x128xbf16, #tpu.memory_space<vmem>>, vector<512x128xbf16>,
      %dot_general3A_410 = arith.constant dense<0.000000e+00> : vector<1024x512xf32>
      %dot_general3A_411 = tpu.matmul %convert_element_type3A_4, %convert_element_type3A_406, %dot_general3A_410 {dimension_numbers = #tpu.dot_dimension_numbers<[1], [1], [0], [0], [0, 0, 1, 0], [], []>, transpose_lhs_hint = false} : vector<1024x128xbf16>, vector<512x128xbf16>, vector<1024x512xf32> -> vector<1024x512xf32>
      %get3A_412 = arith.constant 0 : index
      %get3A_413 = arith.constant 6144 : index
      %get3A_414 = vector.load %arg6[%get3A_412, %get3A_413] : memref<1x8192xf32, #tpu.memory_space<vmem>>, vector<1x512xf32>
      %add3A_415 = vector.broadcast %get3A_414 : vector<1x512xf32> to vector<1024x512xf32>
      %add3A_416 = arith.addf %dot_general3A_411, %add3A_415 : vector<1024x512xf32>
      %exp3A_417 = math.exp %add3A_416 : vector<1024x512xf32>
      %mul3A_418 = arith.constant 8192 : i32
      %mul3A_419 = arith.muli %arg0, %mul3A_418 : i32
      %add3A_420 = arith.constant 6144 : i32
      %add3A_421 = arith.addi %mul3A_419, %add3A_420 : i32
      %iota3A_422 = tpu.iota {dimensions = array<i32: 1>} : vector<1x512xi32>
      %add3A_423 = vector.broadcast %add3A_421 : i32 to vector<1x512xi32>
      %add3A_424 = arith.addi %add3A_423, %iota3A_422 : vector<1x512xi32>
      %lt3A_425 = arith.constant 100000 : i32
      %lt3A_426 = vector.broadcast %lt3A_425 : i32 to vector<1x512xi32>
      %lt3A_427 = arith.cmpi slt, %add3A_424, %lt3A_426 : vector<1x512xi32>
      %jit3A_428 = arith.constant 0.000000e+00 : f32
      %broadcast_in_dim3A_429 = vector.shape_cast %lt3A_427 : vector<1x512xi1> to vector<1x512xi1>
      %broadcast_in_dim3A_430 = vector.broadcast %broadcast_in_dim3A_429 : vector<1x512xi1> to vector<1024x512xi1>
      %broadcast_in_dim3A_431 = vector.broadcast %jit3A_428 : f32 to vector<1024x512xf32>
      %select_n3A_432 = arith.select %broadcast_in_dim3A_430, %exp3A_417, %broadcast_in_dim3A_431 : vector<1024x512xi1>, vector<1024x512xf32>
      %reduce_sum3A_433 = arith.constant dense<0.000000e+00> : vector<1024xf32>
      %reduce_sum3A_434 = vector.multi_reduction <add>, %select_n3A_432, %reduce_sum3A_433 [1] : vector<1024x512xf32> to vector<1024xf32>
      %broadcast_in_dim3A_435 = vector.shape_cast %reduce_sum3A_434 : vector<1024xf32> to vector<1024x1xf32>
      %get3A_436 = arith.constant 6656 : index
      %get3A_437 = arith.constant 0 : index
      %get3A_438 = vector.load %arg5[%get3A_436, %get3A_437] : memref<8192x128xf32, #tpu.memory_space<vmem>>, vector<512x128xf32>
      %convert_element_type3A_439 = arith.truncf %get3A_438 : vector<512x128xf32> to vector<512x128xbf16>
      %swap3A_440 = arith.constant 6656 : index
      %swap3A_441 = arith.constant 0 : index
      %swap3A_442 = vector.load %arg9[%swap3A_440, %swap3A_441] : memref<8192x128xbf16, #tpu.memory_space<vmem>>, vector<512x128xbf16>
      tpu.vector_store %arg9[%swap3A_440, %swap3A_441], %convert_element_type3A_439 {strides = array<i32>} : memref<8192x128xbf16, #tpu.memory_space<vmem>>, vector<512x128xbf16>,
      %dot_general3A_443 = arith.constant dense<0.000000e+00> : vector<1024x512xf32>
      %dot_general3A_444 = tpu.matmul %convert_element_type3A_4, %convert_element_type3A_439, %dot_general3A_443 {dimension_numbers = #tpu.dot_dimension_numbers<[1], [1], [0], [0], [0, 0, 1, 0], [], []>, transpose_lhs_hint = false} : vector<1024x128xbf16>, vector<512x128xbf16>, vector<1024x512xf32> -> vector<1024x512xf32>
      %get3A_445 = arith.constant 0 : index
      %get3A_446 = arith.constant 6656 : index
      %get3A_447 = vector.load %arg6[%get3A_445, %get3A_446] : memref<1x8192xf32, #tpu.memory_space<vmem>>, vector<1x512xf32>
      %add3A_448 = vector.broadcast %get3A_447 : vector<1x512xf32> to vector<1024x512xf32>
      %add3A_449 = arith.addf %dot_general3A_444, %add3A_448 : vector<1024x512xf32>
      %exp3A_450 = math.exp %add3A_449 : vector<1024x512xf32>
      %mul3A_451 = arith.constant 8192 : i32
      %mul3A_452 = arith.muli %arg0, %mul3A_451 : i32
      %add3A_453 = arith.constant 6656 : i32
      %add3A_454 = arith.addi %mul3A_452, %add3A_453 : i32
      %iota3A_455 = tpu.iota {dimensions = array<i32: 1>} : vector<1x512xi32>
      %add3A_456 = vector.broadcast %add3A_454 : i32 to vector<1x512xi32>
      %add3A_457 = arith.addi %add3A_456, %iota3A_455 : vector<1x512xi32>
      %lt3A_458 = arith.constant 100000 : i32
      %lt3A_459 = vector.broadcast %lt3A_458 : i32 to vector<1x512xi32>
      %lt3A_460 = arith.cmpi slt, %add3A_457, %lt3A_459 : vector<1x512xi32>
      %jit3A_461 = arith.constant 0.000000e+00 : f32
      %broadcast_in_dim3A_462 = vector.shape_cast %lt3A_460 : vector<1x512xi1> to vector<1x512xi1>
      %broadcast_in_dim3A_463 = vector.broadcast %broadcast_in_dim3A_462 : vector<1x512xi1> to vector<1024x512xi1>
      %broadcast_in_dim3A_464 = vector.broadcast %jit3A_461 : f32 to vector<1024x512xf32>
      %select_n3A_465 = arith.select %broadcast_in_dim3A_463, %exp3A_450, %broadcast_in_dim3A_464 : vector<1024x512xi1>, vector<1024x512xf32>
      %reduce_sum3A_466 = arith.constant dense<0.000000e+00> : vector<1024xf32>
      %reduce_sum3A_467 = vector.multi_reduction <add>, %select_n3A_465, %reduce_sum3A_466 [1] : vector<1024x512xf32> to vector<1024xf32>
      %broadcast_in_dim3A_468 = vector.shape_cast %reduce_sum3A_467 : vector<1024xf32> to vector<1024x1xf32>
      %get3A_469 = arith.constant 7168 : index
      %get3A_470 = arith.constant 0 : index
      %get3A_471 = vector.load %arg5[%get3A_469, %get3A_470] : memref<8192x128xf32, #tpu.memory_space<vmem>>, vector<512x128xf32>
      %convert_element_type3A_472 = arith.truncf %get3A_471 : vector<512x128xf32> to vector<512x128xbf16>
      %swap3A_473 = arith.constant 7168 : index
      %swap3A_474 = arith.constant 0 : index
      %swap3A_475 = vector.load %arg9[%swap3A_473, %swap3A_474] : memref<8192x128xbf16, #tpu.memory_space<vmem>>, vector<512x128xbf16>
      tpu.vector_store %arg9[%swap3A_473, %swap3A_474], %convert_element_type3A_472 {strides = array<i32>} : memref<8192x128xbf16, #tpu.memory_space<vmem>>, vector<512x128xbf16>,
      %dot_general3A_476 = arith.constant dense<0.000000e+00> : vector<1024x512xf32>
      %dot_general3A_477 = tpu.matmul %convert_element_type3A_4, %convert_element_type3A_472, %dot_general3A_476 {dimension_numbers = #tpu.dot_dimension_numbers<[1], [1], [0], [0], [0, 0, 1, 0], [], []>, transpose_lhs_hint = false} : vector<1024x128xbf16>, vector<512x128xbf16>, vector<1024x512xf32> -> vector<1024x512xf32>
      %get3A_478 = arith.constant 0 : index
      %get3A_479 = arith.constant 7168 : index
      %get3A_480 = vector.load %arg6[%get3A_478, %get3A_479] : memref<1x8192xf32, #tpu.memory_space<vmem>>, vector<1x512xf32>
      %add3A_481 = vector.broadcast %get3A_480 : vector<1x512xf32> to vector<1024x512xf32>
      %add3A_482 = arith.addf %dot_general3A_477, %add3A_481 : vector<1024x512xf32>
      %exp3A_483 = math.exp %add3A_482 : vector<1024x512xf32>
      %mul3A_484 = arith.constant 8192 : i32
      %mul3A_485 = arith.muli %arg0, %mul3A_484 : i32
      %add3A_486 = arith.constant 7168 : i32
      %add3A_487 = arith.addi %mul3A_485, %add3A_486 : i32
      %iota3A_488 = tpu.iota {dimensions = array<i32: 1>} : vector<1x512xi32>
      %add3A_489 = vector.broadcast %add3A_487 : i32 to vector<1x512xi32>
      %add3A_490 = arith.addi %add3A_489, %iota3A_488 : vector<1x512xi32>
      %lt3A_491 = arith.constant 100000 : i32
      %lt3A_492 = vector.broadcast %lt3A_491 : i32 to vector<1x512xi32>
      %lt3A_493 = arith.cmpi slt, %add3A_490, %lt3A_492 : vector<1x512xi32>
      %jit3A_494 = arith.constant 0.000000e+00 : f32
      %broadcast_in_dim3A_495 = vector.shape_cast %lt3A_493 : vector<1x512xi1> to vector<1x512xi1>
      %broadcast_in_dim3A_496 = vector.broadcast %broadcast_in_dim3A_495 : vector<1x512xi1> to vector<1024x512xi1>
      %broadcast_in_dim3A_497 = vector.broadcast %jit3A_494 : f32 to vector<1024x512xf32>
      %select_n3A_498 = arith.select %broadcast_in_dim3A_496, %exp3A_483, %broadcast_in_dim3A_497 : vector<1024x512xi1>, vector<1024x512xf32>
      %reduce_sum3A_499 = arith.constant dense<0.000000e+00> : vector<1024xf32>
      %reduce_sum3A_500 = vector.multi_reduction <add>, %select_n3A_498, %reduce_sum3A_499 [1] : vector<1024x512xf32> to vector<1024xf32>
      %broadcast_in_dim3A_501 = vector.shape_cast %reduce_sum3A_500 : vector<1024xf32> to vector<1024x1xf32>
      %get3A_502 = arith.constant 7680 : index
      %get3A_503 = arith.constant 0 : index
      %get3A_504 = vector.load %arg5[%get3A_502, %get3A_503] : memref<8192x128xf32, #tpu.memory_space<vmem>>, vector<512x128xf32>
      %convert_element_type3A_505 = arith.truncf %get3A_504 : vector<512x128xf32> to vector<512x128xbf16>
      %swap3A_506 = arith.constant 7680 : index
      %swap3A_507 = arith.constant 0 : index
      %swap3A_508 = vector.load %arg9[%swap3A_506, %swap3A_507] : memref<8192x128xbf16, #tpu.memory_space<vmem>>, vector<512x128xbf16>
      tpu.vector_store %arg9[%swap3A_506, %swap3A_507], %convert_element_type3A_505 {strides = array<i32>} : memref<8192x128xbf16, #tpu.memory_space<vmem>>, vector<512x128xbf16>,
      %dot_general3A_509 = arith.constant dense<0.000000e+00> : vector<1024x512xf32>
      %dot_general3A_510 = tpu.matmul %convert_element_type3A_4, %convert_element_type3A_505, %dot_general3A_509 {dimension_numbers = #tpu.dot_dimension_numbers<[1], [1], [0], [0], [0, 0, 1, 0], [], []>, transpose_lhs_hint = false} : vector<1024x128xbf16>, vector<512x128xbf16>, vector<1024x512xf32> -> vector<1024x512xf32>
      %get3A_511 = arith.constant 0 : index
      %get3A_512 = arith.constant 7680 : index
      %get3A_513 = vector.load %arg6[%get3A_511, %get3A_512] : memref<1x8192xf32, #tpu.memory_space<vmem>>, vector<1x512xf32>
      %add3A_514 = vector.broadcast %get3A_513 : vector<1x512xf32> to vector<1024x512xf32>
      %add3A_515 = arith.addf %dot_general3A_510, %add3A_514 : vector<1024x512xf32>
      %exp3A_516 = math.exp %add3A_515 : vector<1024x512xf32>
      %mul3A_517 = arith.constant 8192 : i32
      %mul3A_518 = arith.muli %arg0, %mul3A_517 : i32
      %add3A_519 = arith.constant 7680 : i32
      %add3A_520 = arith.addi %mul3A_518, %add3A_519 : i32
      %iota3A_521 = tpu.iota {dimensions = array<i32: 1>} : vector<1x512xi32>
      %add3A_522 = vector.broadcast %add3A_520 : i32 to vector<1x512xi32>
      %add3A_523 = arith.addi %add3A_522, %iota3A_521 : vector<1x512xi32>
      %lt3A_524 = arith.constant 100000 : i32
      %lt3A_525 = vector.broadcast %lt3A_524 : i32 to vector<1x512xi32>
      %lt3A_526 = arith.cmpi slt, %add3A_523, %lt3A_525 : vector<1x512xi32>
      %jit3A_527 = arith.constant 0.000000e+00 : f32
      %broadcast_in_dim3A_528 = vector.shape_cast %lt3A_526 : vector<1x512xi1> to vector<1x512xi1>
      %broadcast_in_dim3A_529 = vector.broadcast %broadcast_in_dim3A_528 : vector<1x512xi1> to vector<1024x512xi1>
      %broadcast_in_dim3A_530 = vector.broadcast %jit3A_527 : f32 to vector<1024x512xf32>
      %select_n3A_531 = arith.select %broadcast_in_dim3A_529, %exp3A_516, %broadcast_in_dim3A_530 : vector<1024x512xi1>, vector<1024x512xf32>
      %reduce_sum3A_532 = arith.constant dense<0.000000e+00> : vector<1024xf32>
      %reduce_sum3A_533 = vector.multi_reduction <add>, %select_n3A_531, %reduce_sum3A_532 [1] : vector<1024x512xf32> to vector<1024xf32>
      %broadcast_in_dim3A_534 = vector.shape_cast %reduce_sum3A_533 : vector<1024xf32> to vector<1024x1xf32>
      %add3A_535 = arith.addf %broadcast_in_dim3A_39, %broadcast_in_dim3A_72 : vector<1024x1xf32>
      %add3A_536 = arith.addf %add3A_535, %broadcast_in_dim3A_105 : vector<1024x1xf32>
      %add3A_537 = arith.addf %add3A_536, %broadcast_in_dim3A_138 : vector<1024x1xf32>
      %add3A_538 = arith.addf %add3A_537, %broadcast_in_dim3A_171 : vector<1024x1xf32>
      %add3A_539 = arith.addf %add3A_538, %broadcast_in_dim3A_204 : vector<1024x1xf32>
      %add3A_540 = arith.addf %add3A_539, %broadcast_in_dim3A_237 : vector<1024x1xf32>
      %add3A_541 = arith.addf %add3A_540, %broadcast_in_dim3A_270 : vector<1024x1xf32>
      %add3A_542 = arith.addf %add3A_541, %broadcast_in_dim3A_303 : vector<1024x1xf32>
      %add3A_543 = arith.addf %add3A_542, %broadcast_in_dim3A_336 : vector<1024x1xf32>
      %add3A_544 = arith.addf %add3A_543, %broadcast_in_dim3A_369 : vector<1024x1xf32>
      %add3A_545 = arith.addf %add3A_544, %broadcast_in_dim3A_402 : vector<1024x1xf32>
      %add3A_546 = arith.addf %add3A_545, %broadcast_in_dim3A_435 : vector<1024x1xf32>
      %add3A_547 = arith.addf %add3A_546, %broadcast_in_dim3A_468 : vector<1024x1xf32>
      %add3A_548 = arith.addf %add3A_547, %broadcast_in_dim3A_501 : vector<1024x1xf32>
      %add3A_549 = arith.addf %add3A_548, %broadcast_in_dim3A_534 : vector<1024x1xf32>
      %add3A_550 = arith.addf %get3A_16, %add3A_549 : vector<1024x1xf32>
      %log3A = math.log %add3A_550 : vector<1024x1xf32>
      %swap3A_551 = arith.constant 0 : index
      %swap3A_552 = arith.constant 0 : index
      %swap3A_553 = vector.load %arg8[%swap3A_551, %swap3A_552] : memref<1024x1xf32, #tpu.memory_space<vmem>>, vector<1024x1xf32>
      tpu.vector_store %arg8[%swap3A_551, %swap3A_552], %log3A {strides = array<i32>} : memref<1024x1xf32, #tpu.memory_space<vmem>>, vector<1024x1xf32>,
    } else {
    }
    return
  }
  func.func @transform_0(%arg0: i32) -> (i32, i32) {
    %c0_i32 = arith.constant 0 : i32
    %c0_i32_0 = arith.constant 0 : i32
    %c0_i32_1 = arith.constant 0 : i32
    return %c0_i32, %c0_i32_0 : i32, i32
  }
  func.func @transform_1(%arg0: i32) -> (i32, i32) {
    %c0_i32 = arith.constant 0 : i32
    %c0_i32_0 = arith.constant 0 : i32
    %c0_i32_1 = arith.constant 0 : i32
    return %c0_i32, %c0_i32_0 : i32, i32
  }
  func.func @transform_2(%arg0: i32) -> (i32, i32) {
    %c0_i32 = arith.constant 0 : i32
    %c0_i32_0 = arith.constant 0 : i32
    %c0_i32_1 = arith.constant 0 : i32
    return %c0_i32, %c0_i32_0 : i32, i32
  }
  func.func @transform_3(%arg0: i32) -> (i32, i32) {
    %c0_i32 = arith.constant 0 : i32
    %c0_i32_0 = arith.constant 0 : i32
    %c0_i32_1 = arith.constant 0 : i32
    return %c0_i32, %c0_i32_0 : i32, i32
  }
  func.func @transform_4(%arg0: i32) -> (i32, i32) {
    %c0_i32 = arith.constant 0 : i32
    %c0_i32_0 = arith.constant 0 : i32
    return %arg0, %c0_i32 : i32, i32
  }
  func.func @transform_5(%arg0: i32) -> (i32, i32) {
    %c0_i32 = arith.constant 0 : i32
    %c0_i32_0 = arith.constant 0 : i32
    return %c0_i32, %arg0 : i32, i32
  }
  func.func @transform_6(%arg0: i32) -> (i32, i32) {
    %c0_i32 = arith.constant 0 : i32
    %c0_i32_0 = arith.constant 0 : i32
    %c0_i32_1 = arith.constant 0 : i32
    return %c0_i32, %c0_i32_0 : i32, i32
  }
  func.func @transform_7(%arg0: i32) -> (i32, i32) {
    %c0_i32 = arith.constant 0 : i32
    %c0_i32_0 = arith.constant 0 : i32
    %c0_i32_1 = arith.constant 0 : i32
    return %c0_i32, %c0_i32_0 : i32, i32
  }
  func.func @transform_8(%arg0: i32) -> (i32, i32) {
    %c0_i32 = arith.constant 0 : i32
    %c0_i32_0 = arith.constant 0 : i32
    return %arg0, %c0_i32 : i32, i32
  }
}

module attributes {stable_mosaic.version = 14 : i64} {
  func.func @_pass2_body(%arg0: i32, %arg1: memref<1024x128xf32, #tpu.memory_space<vmem>>, %arg2: memref<4352x128xbf16, #tpu.memory_space<vmem>>, %arg3: memref<1x4352xf32, #tpu.memory_space<vmem>>, %arg4: memref<1x1024xf32, #tpu.memory_space<vmem>>, %arg5: memref<4352x1024xf32, #tpu.memory_space<vmem>>) attributes {dimension_semantics = [#tpu.dimension_semantics<arbitrary>], iteration_bounds = array<i64: 23>, scalar_prefetch = 0 : i64, scratch_operands = 0 : i64, tpu.core_type = #tpu.core_type<tc>, window_params = [{pipeline_mode = #tpu.pipeline_mode<synchronous>, transform_indices = @transform_0, window_bounds = array<i64: 1024, 128>}, {transform_indices = @transform_1, window_bounds = array<i64: 4352, 128>}, {transform_indices = @transform_2, window_bounds = array<i64: 1, 4352>}, {pipeline_mode = #tpu.pipeline_mode<synchronous>, transform_indices = @transform_3, window_bounds = array<i64: 1, 1024>}, {transform_indices = @transform_4, window_bounds = array<i64: 4352, 1024>}]} {
    %get3A = arith.constant 0 : index
    %get3A_0 = arith.constant 0 : index
    %get3A_1 = vector.load %arg3[%get3A, %get3A_0] : memref<1x4352xf32, #tpu.memory_space<vmem>>, vector<1x4352xf32>
    %transpose3A = tpu.transpose %get3A_1, [1, 0] : vector<1x4352xf32> -> vector<4352x1xf32>
    %get3A_2 = arith.constant 0 : index
    %get3A_3 = arith.constant 0 : index
    %get3A_4 = vector.load %arg2[%get3A_2, %get3A_3] : memref<4352x128xbf16, #tpu.memory_space<vmem>>, vector<4352x128xbf16>
    %get3A_5 = arith.constant 0 : index
    %get3A_6 = arith.constant 0 : index
    %get3A_7 = vector.load %arg1[%get3A_5, %get3A_6] : memref<1024x128xf32, #tpu.memory_space<vmem>>, vector<1024x128xf32>
    %convert_element_type3A = arith.truncf %get3A_7 : vector<1024x128xf32> to vector<1024x128xbf16>
    %dot_general3A = arith.constant dense<0.000000e+00> : vector<4352x1024xf32>
    %dot_general3A_8 = tpu.matmul %get3A_4, %convert_element_type3A, %dot_general3A {dimension_numbers = #tpu.dot_dimension_numbers<[1], [1], [0], [0], [0, 0, 1, 0], [], []>, transpose_lhs_hint = false} : vector<4352x128xbf16>, vector<1024x128xbf16>, vector<4352x1024xf32> -> vector<4352x1024xf32>
    %add3A = vector.broadcast %transpose3A : vector<4352x1xf32> to vector<4352x1024xf32>
    %add3A_9 = arith.addf %dot_general3A_8, %add3A : vector<4352x1024xf32>
    %get3A_10 = arith.constant 0 : index
    %get3A_11 = arith.constant 0 : index
    %get3A_12 = vector.load %arg4[%get3A_10, %get3A_11] : memref<1x1024xf32, #tpu.memory_space<vmem>>, vector<1x1024xf32>
    %sub3A = vector.broadcast %get3A_12 : vector<1x1024xf32> to vector<4352x1024xf32>
    %sub3A_13 = arith.subf %add3A_9, %sub3A : vector<4352x1024xf32>
    %swap3A = arith.constant 0 : index
    %swap3A_14 = arith.constant 0 : index
    %swap3A_15 = vector.load %arg5[%swap3A, %swap3A_14] : memref<4352x1024xf32, #tpu.memory_space<vmem>>, vector<4352x1024xf32>
    tpu.vector_store %arg5[%swap3A, %swap3A_14], %sub3A_13 {strides = array<i32>} : memref<4352x1024xf32, #tpu.memory_space<vmem>>, vector<4352x1024xf32>,
    return
  }
  func.func @transform_0(%arg0: i32) -> (i32, i32) {
    %c0_i32 = arith.constant 0 : i32
    %c0_i32_0 = arith.constant 0 : i32
    %c0_i32_1 = arith.constant 0 : i32
    return %c0_i32, %c0_i32_0 : i32, i32
  }
  func.func @transform_1(%arg0: i32) -> (i32, i32) {
    %c0_i32 = arith.constant 0 : i32
    %c0_i32_0 = arith.constant 0 : i32
    return %arg0, %c0_i32 : i32, i32
  }
  func.func @transform_2(%arg0: i32) -> (i32, i32) {
    %c0_i32 = arith.constant 0 : i32
    %c0_i32_0 = arith.constant 0 : i32
    return %c0_i32, %arg0 : i32, i32
  }
  func.func @transform_3(%arg0: i32) -> (i32, i32) {
    %c0_i32 = arith.constant 0 : i32
    %c0_i32_0 = arith.constant 0 : i32
    %c0_i32_1 = arith.constant 0 : i32
    return %c0_i32, %c0_i32_0 : i32, i32
  }
  func.func @transform_4(%arg0: i32) -> (i32, i32) {
    %c0_i32 = arith.constant 0 : i32
    %c0_i32_0 = arith.constant 0 : i32
    return %arg0, %c0_i32 : i32, i32
  }
}

</mosaic_0001>

<sc_bundles>
// kernel: kernel.6.cloned.1.call-start
scs
__scs_entry_jumppad:
0x0: {  	(pc) =	sbr.rel $0x88, $3  }
0x1: {  	(tag) =	ssettag $0x0;
	lr =	simm.s32 $0x1  }
0x2: {  	[smem:$0x3F9B] =	sst lr;
	_ =	strace $0xD0000000  }
0x3: {  	_ = 	snop  }
0x4: {  	_ = 	snop  }
0x5: {  	_ = 	snop  }
0x6: {  	_ = 	snop  }
0x7: {  	_ = 	snop  }
__scs_overlays_trampoline_lowered:
0x8: {  	[smem:$0x3FAA] =	sst s0  }
0x9: {  	[smem:$0x3FAB] =	sst s1  }
0xa: {  	[smem:$0x3FAC] =	sst s2  }
0xb: {  	[smem:$0x3FAD] =	sst s3  }
0xc: {  	[smem:$0x3FAE] =	sst s4  }
0xd: {  	[smem:$0x3FAF] =	sst s5  }
0xe: {  	[smem:$0x3FB0] =	sst s6  }
0xf: {  	[smem:$0x3FB1] =	sst s7  }
0x10: {  	[smem:$0x3FB2] =	sst s8  }
0x11: {  	[smem:$0x3FB3] =	sst s9;
	s0 =	simm.s32 @!p0 $0x0  }
0x12: {  	s1 =	sld [smem:$0x3F99];
	s0 =	simm.s32 @p0 $0x1  }
0x13: {  	[smem:$0x3FB4] =	sst s0;
	s0 =	simm.s32 @!p1 $0x0  }
0x14: {  	s2 =	sld [smem:$0x3F98];
	s0 =	simm.s32 @p1 $0x1  }
0x15: {  	[smem:$0x3FB5] =	sst s0;
	s0 =	simm.s32 @!p2 $0x0  }
0x16: {  	s3 =	sld [smem:$0x3FDB];
	s0 =	simm.s32 @p2 $0x1  }
0x17: {  	s4 =	simm.s32 $0x1BF5;
	[smem:$0x3FB7] =	sst s0  }
0x18: {  	s0 =	sld [smem:$0x3F9A];
	_ =	swait.ge [sflag:s4], $0x0  }
0x19: {  	s7 =	sld [smem:$0x3F9B]  }
0x1a: {  	s8 =	sadd.s32 $0xFFFFE003, lr  }
0x1b: {  	s9 =	sadd.s32 $0xFFFFFEF7, lr;
	s5 =	simm.s32 $0xFFFFFFFF;
	p2 =	slt.u32 s8, $0xFFFFF086  }
0x1c: {  	p1 =	slt.u32 s9, $0xF7A;
	s5 =	simm.s32 @!p2 $0x0  }
0x1d: {  	s5 =	simm.s32 @p1 $0x1;
	p0 =	seq.s32 s7, s2  }
0x1e: {  	s7 =	smul.u32 @!p0 $0xF7A, s2;
	p2 =	seq.s32 @!p0 s5, $0x0  }
0x1f: {  	s9 =	smul.u32 $0xF7A, s1;
	s8 =	simm.s32 @!p0 $0x1BF5;
	p2 =	por !p2, p0  }
0x20: {  	[sflag:s8] =	ssyncset.s32 @!p0 $0xFFFFF086;
	s6 =	sadd.s32 @!p0 s3, s7;
	s7 =	simm.s32 @!p0 $0x108  }
0x21: {  	s3 =	sadd.s32 s3, s9;
	s6 =	sadd.s32 @!p0 $0x88, s6;
	s7 =	simm.s32 @p2 $0x1082  }
0x22: {  	[simem:s7], [sflag:s8] =	dma.local @!p0 [hbm:s6], $0xF7A  }
0x23: {  	s9 =	sor.u32 $0xD0000000, s2;
	s6 =	simm.s32 $0x108;
	_ =	swait.ge @!p0 [sflag:s8], $0x0  }
0x24: {  	s3 =	sadd.s32 $0x88, s3;
	s6 =	simm.s32 @!p1 $0x1082;
	[sflag:s4] =	ssyncset.s32 $0xFFFFF086  }
0x25: {  	[simem:s6], [sflag:s4] =	dma.local [hbm:s3], $0xF7A  }
0x26: {  	[smem:$0x3F9B] =	sst s1;
	(tag) =	ssettag s2;
	_ =	strace s9  }
0x27: {  	s1 =	sld [smem:$0x3FAB]  }
0x28: {  	s2 =	sld [smem:$0x3FAC]  }
0x29: {  	s4 =	sld [smem:$0x3FAE]  }
0x2a: {  	p0 =	seq.s32 s5, $0x0;
	s5 =	sld [smem:$0x3FAF]  }
0x2b: {  	s6 =	sld [smem:$0x3FB0]  }
0x2c: {  	s7 =	sld [smem:$0x3FB1]  }
0x2d: {  	s3 =	simm.s32 $0x108;
	s8 =	sld [smem:$0x3FB2]  }
0x2e: {  	s3 =	simm.s32 @!p0 $0x1082;
	s9 =	sld [smem:$0x3FB3]  }
0x2f: {  	lr =	sadd.s32 s0, s3;
	s0 =	sld [smem:$0x3FAA]  }
0x30: {  	s3 =	sld [smem:$0x3FAD]  }
0x31: {  	[smem:$0x3FB6] =	sst s10  }
0x32: {  	s10 =	sld [smem:$0x3FB4];
	_ =	sdelay $0x3  }
0x33: {  	p0 =	seq.s32 s10, $0x1;
	s10 =	sld [smem:$0x3FB6];
	_ =	sdelay $0x3  }
0x34: {  	[smem:$0x3FB6] =	sst s10  }
0x35: {  	s10 =	sld [smem:$0x3FB5];
	_ =	sdelay $0x3  }
0x36: {  	p1 =	seq.s32 s10, $0x1;
	s10 =	sld [smem:$0x3FB6];
	_ =	sdelay $0x3  }
0x37: {  	[smem:$0x3FB6] =	sst s10  }
0x38: {  	s10 =	sld [smem:$0x3FB7]  }
0x39: {  	_ = 	snop;
	(pc) =	sbr.ind lr, $3  }
0x3a: {  	_ = 	snop  }
0x3b: {  	_ = 	snop  }
0x3c: {  	p2 =	seq.s32 s10, $0x1;
	s10 =	sld [smem:$0x3FB6]  }
0x3d: {  	_ =	shalt  }
0x3e: {  	_ =	shalt  }
0x3f: {  	_ =	shalt  }
0x40: {  	_ =	shalt  }
0x41: {  	_ =	shalt  }
0x42: {  	_ =	shalt  }
0x43: {  	_ =	shalt  }
0x44: {  	_ =	shalt  }
0x45: {  	_ =	shalt  }
0x46: {  	_ =	shalt  }
0x47: {  	_ =	shalt  }
0x48: {  	_ =	shalt  }
0x49: {  	_ =	shalt  }
0x4a: {  	_ =	shalt  }
0x4b: {  	_ =	shalt  }
0x4c: {  	_ =	shalt  }
0x4d: {  	_ =	shalt  }
0x4e: {  	_ =	shalt  }
0x4f: {  	_ =	shalt  }
0x50: {  	_ =	shalt  }
0x51: {  	_ =	shalt  }
0x52: {  	_ =	shalt  }
0x53: {  	_ =	shalt  }
0x54: {  	_ =	shalt  }
0x55: {  	_ =	shalt  }
0x56: {  	_ =	shalt  }
0x57: {  	_ =	shalt  }
0x58: {  	_ =	shalt  }
0x59: {  	_ =	shalt  }
0x5a: {  	_ =	shalt  }
0x5b: {  	_ =	shalt  }
0x5c: {  	_ =	shalt  }
0x5d: {  	_ =	shalt  }
0x5e: {  	_ =	shalt  }
0x5f: {  	_ =	shalt  }
0x60: {  	_ =	shalt  }
0x61: {  	_ =	shalt  }
0x62: {  	_ =	shalt  }
0x63: {  	_ =	shalt  }
0x64: {  	_ =	shalt  }
0x65: {  	_ =	shalt  }
0x66: {  	_ =	shalt  }
0x67: {  	_ =	shalt  }
0x68: {  	_ =	shalt  }
0x69: {  	_ =	shalt  }
0x6a: {  	_ =	shalt  }
0x6b: {  	_ =	shalt  }
0x6c: {  	_ =	shalt  }
0x6d: {  	_ =	shalt  }
0x6e: {  	_ =	shalt  }
0x6f: {  	_ =	shalt  }
0x70: {  	_ =	shalt  }
0x71: {  	_ =	shalt  }
0x72: {  	_ =	shalt  }
0x73: {  	_ =	shalt  }
0x74: {  	_ =	shalt  }
0x75: {  	_ =	shalt  }
0x76: {  	_ =	shalt  }
0x77: {  	_ =	shalt  }
0x78: {  	_ =	shalt  }
0x79: {  	_ =	shalt  }
0x7a: {  	_ =	shalt  }
0x7b: {  	_ =	shalt  }
0x7c: {  	_ =	shalt  }
0x7d: {  	_ =	shalt  }
0x7e: {  	_ =	shalt  }
0x7f: {  	_ =	shalt  }
0x80: {  	_ =	shalt  }
0x81: {  	_ =	shalt  }
0x82: {  	_ =	shalt  }
0x83: {  	_ =	shalt  }
0x84: {  	_ =	shalt  }
0x85: {  	_ =	shalt  }
0x86: {  	_ =	shalt  }
0x87: {  	_ =	shalt  }
.Lfunc_end0:
.L_simem_size_0:
called_computation_lowered:
.L_overlay_start_0:
0x88: {  	s2 =	sld [smem:$0x3FD9]  }
0x89: {  	s3 =	sld [smem:$0x3FFE];
	_ =	sdelay $0x1  }
0x8a: {  	s1 =	srdreg.scid  }
0x8b: {  	s0 =	sand.u32 $0x1, s1  }
0x8c: {  	s17 =	sshll.u32 s0, $0xA;
	s2 =	sadd.s32 s3, s2  }
0x8d: {  	s2 =	sadd.s32 s2, s17  }
0x8e: {  	[smem:$0x3FC2] =	sst s2  }
0x8f: {  	_ = 	snop  }
0x90: {  	s2 =	sld [smem:$0x3FD0];
	(tm) =	ssettm $0x1  }
0x91: {  	s18 =	sld [smem:$0x3FFB];
	_ =	sdelay $0x3  }
0x92: {  	_ =	strace s18  }
0x93: {  	s3 =	sld [smem:$0x3FFC];
	_ =	sdelay $0x3  }
0x94: {  	_ =	strace s3  }
0x95: {  	s3 =	sld [smem:$0x3FFD];
	_ =	sdelay $0x3  }
0x96: {  	_ =	strace s3  }
0x97: {  	_ =	strace $0x8FFFFFFF  }
0x98: {  	s19 =	sld [smem:$0x3FDB];
	_ =	sdelay $0x1  }
0x99: {  	s4 =	simm.s32 $_scs_section_size  }
0x9a: {  	s5 =	simm.s32 $_size__tile_overlayer_lowered;
	s6 =	simm.s32 $_tile_overlayer_lowered  }
0x9b: {  	s22 =	simm.s32 $0x1BFF;
	s21 =	sshll.u32 s6, $0x1;
	s3 =	sadd.s32 s4, s19  }
0x9c: {  	s7 =	simm.s32 $0x0;
	s20 =	sshll.u32 s5, $0x1;
	s5 =	sadd.s32 s21, s3  }
0x9d: {  	[timem:s7], [sflag:s22] =	dma.local [hbm:s5], s20  }
0x9e: {  	_ =	swait.ge [sflag:s22], s20  }
0x9f: {  	s4 =	ssub.s32 $0x0, s20;
	[sflag:s22] =	ssyncset.done $0x0  }
0xa0: {  	[sflag:s22] =	ssyncadd.s32 s4;
	_ =	sdelay $0x1  }
0xa1: {  	s23 =	simm.s32 $0x1B8B  }
0xa2: {  	_ =	swait.ge [sflag:s23], $0x1  }
0xa3: {  	[sflag:s23] =	ssyncset.done $0x0  }
0xa4: {  	s25 =	simm.s32 $0x1B8E;
	s24 =	sld [smem:$0x3FFE];
	[sflag:s23] =	ssyncadd.s32 $0xFFFFFFFF  }
0xa5: {  	s26 =	simm.s32 $execute0_lowered;
	[smem:$0x3FD2] =	sst s25  }
0xa6: {  	s5 =	sshll.u32 s26, $0x1;
	_ =	strace $0x80000046;
	[dreg:$0x1] =	wrdreg $0xFFFFFFFF  }
0xa7: {  	s28 =	simm.s32 $_size_execute0_lowered;
	s3 =	sadd.s32 s3, s5;
	[dreg:$0x0] =	wrdreg $0x0  }
0xa8: {  	s5 =	sshll.u32 s28, $0x1;
	[dreg:$0x2] =	wrdreg s3  }
0xa9: {  	[dreg:$0x3] =	wrdreg s5  }
0xaa: {  	[dreg:$0x4] =	wrdreg $0xC0  }
0xab: {  	_ =	task [dreg:s7], $0x5FFFF  }
0xac: {  	[dreg:$0x1] =	wrdreg $0xFFFFFFFF  }
0xad: {  	[dreg:$0x0] =	wrdreg $0x60  }
0xae: {  	[dreg:$0x2] =	wrdreg s2  }
0xaf: {  	[dreg:$0x3] =	wrdreg s24  }
0xb0: {  	[dreg:$0x4] =	wrdreg $0x9  }
0xb1: {  	_ =	task.clear_ibuf [dreg:s7], $0x5FFFF;
	_ =	strace $0x90000046  }
0xb2: {  	s29 =	simm.s32 $0x9;
	_ =	strace $0x80000048  }
0xb3: {  	_ =	swait.ge [sflag:s29], $0x1  }
0xb4: {  	[sflag:s29] =	ssyncadd.s32 $0xFFFFFFFF  }
0xb5: {  	_ =	strace $0x90000048  }
0xb6: {  	_ =	sfence  }
0xb7: {  	s30 =	sld [smem:$0x0];
	_ =	sdelay $0x2  }
0xb8: {  	s31 =	sshll.u32 s1, $0xD;
	s1 =	sshrl.u32 s1, $0x2  }
0xb9: {  	s3 =	sand.u32 $0x4000, s31;
	s1 =	sadd.s32 s1, s30  }
0xba: {  	s0 =	sor.u32 s3, s0;
	s1 =	sshll.u32 s1, $0x11  }
0xbb: {  	s0 =	sor.u32 s1, s0  }
0xbc: {  	s0 =	sadd.s32 $0x8F2B, s0  }
0xbd: {  	[sflag:s0] =	ssyncadd.remote.s32 $0x1  }
0xbe: {  	_ =	sfence.sel $0xFFFF  }
0xbf: {  	[dreg:$0x0] =	wrdreg $0xFFFFFFFF;
	(pc) =	sbr.abs _section_cstart, $3  }
0xc0: {  	[dreg:$0x1] =	wrdreg $0xFFFFFFFF  }
0xc1: {  	_ =	task.clear_ibuf [dreg:s7], $0x2FFFF;
	_ =	strace $0x9FFFFFFF  }
0xc2: {  	(tm) =	ssettm $0x7FFFFFFF  }
0xc3: {  	_ =	shalt  }
tec
execute0_lowered:
.L_overlay_start_1:
0x0: {  	(tag) =	ssettag $0x1  }
0x1: {  	s1 =	srdreg.scid  }
0x2: {  	s0 =	stileid.u32;
	s6 =	sand.u32 $0x1, s1  }
0x3: {  	s2 =	rddreg [dreg:$0x0];
	s30 =	sshll.u32 s0, $0x8;
	s3 =	sshll.u32 s6, $0x7  }
0x4: {  	s8 =	rddreg [dreg:$0x1];
	s7 =	simm.s32 $0x1;
	s9 =	sor.u32 s3, s30  }
0x5: {  	s1 =	rddreg [dreg:$0x2];
	s3 =	simm.s32 $0x0;
	s4 =	sshrl.u32 s9, $0x3  }
0x6: {  	s10 =	ssub.s32 $0x2, s6;
	[smem:$0x7FF] =	sst s3;
	s4 =	sadd.s32 s4, s8  }
0x7: {  	_ =	strace $0x80000047;
	s5 =	sadd.s32 $0xE00, s4;
	s4 =	simm.s32 $0x2  }
0x8: {  	[tilespmem:s3], [sflag:$0x2] =	stream.linear.gather [hbm4b:s5+s3], $0x80, $0x38;
	[tilespmem:$0x4080] =	vst v63  }
0x9: {  	s6 =	simm.s32 $0x80;
	s11 =	sshrl.u32 s10, $0x1;
	_ =	swait.ge [sflag:s4], $0x80  }
0xa: {  	s9 =	sshll.u32 s9, $0x4;
	s31 =	ssub.s32 s10, s11;
	[sflag:s4] =	ssyncset.done $0x0  }
0xb: {  	s8 =	sadd.s32 s9, s8;
	s9 =	smax.u32 s31, $0x1;
	[sflag:s4] =	ssyncadd.s32 $0xFFFFFF80  }
0xc: {  	[tilespmem:s6], [sflag:$0x1] =	stream.indirect.gather [hbm4b:s2+s6], $0x80, s3, s6, $0xb8;
	[tilespmem:$0x4080] =	vst v63  }
0xd: {  	p0 =	sne.s32 s9, $0x1;
	_ =	swait.ge [sflag:s7], $0x4000  }
.Ltmp0:
0xe: {  	[sflag:s7] =	ssyncset.done $0x0;
	(pc) =	sbr.rel @!p0 .LBB2_2-.Ltmp0, $4  }
0xf: {  	s8 =	sadd.s32 $0x1000, s8;
	[sflag:s7] =	ssyncadd.s32 $0xFFFFC000  }
0x10: {  	[hbm4b:s8+s3] =	stream.linear.scatter [tilespmem:s6], [sflag:$0x2], $0x4000, $0x38;
	[tilespmem:$0x4080] =	vst v63  }
0x11: {  	_ =	swait.ge [sflag:s4], $0x4000  }
0x12: {  	s9 =	sadd.s32 $0xFFFFFFFF, s9;
	[sflag:s4] =	ssyncset.done $0x0  }
.LBB2_1:
0x13: {  	p0 =	sne.s32 s9, $0x1;
	s9 =	sadd.s32 $0xFFFFFFFF, s9;
	[sflag:s4] =	ssyncadd.s32 $0xFFFFC000  }
0x14: {  	[tilespmem:s3], [sflag:$0x2] =	stream.linear.gather [hbm4b:s5+s3], $0x80, $0x38;
	[tilespmem:$0x4080] =	vst v63  }
0x15: {  	_ =	swait.ge [sflag:s4], $0x80  }
0x16: {  	[sflag:s4] =	ssyncset.done $0x0  }
0x17: {  	[sflag:s4] =	ssyncadd.s32 $0xFFFFFF80  }
0x18: {  	[tilespmem:s6], [sflag:$0x1] =	stream.indirect.gather [hbm4b:s2+s6], $0x80, s3, s6, $0xb8;
	[tilespmem:$0x4080] =	vst v63  }
0x19: {  	_ =	swait.ge [sflag:s7], $0x4000  }
.Ltmp1:
0x1a: {  	[sflag:s7] =	ssyncset.done $0x0;
	(pc) =	sbr.rel @p0 .LBB2_1-.Ltmp1, $4  }
0x1b: {  	[sflag:s7] =	ssyncadd.s32 $0xFFFFC000  }
0x1c: {  	[hbm4b:s8+s3] =	stream.linear.scatter [tilespmem:s6], [sflag:$0x2], $0x4000, $0x38;
	[tilespmem:$0x4080] =	vst v63  }
0x1d: {  	_ =	swait.ge [sflag:s4], $0x4000  }
0x1e: {  	[sflag:s4] =	ssyncset.done $0x0  }
.LBB2_2:
0x1f: {  	[sflag:s4] =	ssyncadd.s32 $0xFFFFC000  }
0x20: {  	_ =	sfence.sel $0x180000  }
0x21: {  	[bflag:$0x0] =	sbarrier.arrive $0xFFFF  }
0x22: {  	p0 =	sne.s32 s0, $0x0;
	_ =	strace $0x90000047  }
0x23: {  	s0 =	sadd.s32 @!p0 $0x100000, s1;
	[bflag:$0x2] =	sbarrier.arrive $0xFFFF  }
0x24: {  	[sflag:s0] =	ssyncadd.tile.s32 @!p0 $0x1;
	_ =	shalt  }
.Lfunc_end2:
_tile_overlayer_lowered:
.L_overlay_start_2:
0x25: {  	(tag) =	ssettag $0x2  }
0x26: {  	s0 =	rddreg [dreg:$0x0];
	s2 =	stileid.u32  }
0x27: {  	s1 =	rddreg [dreg:$0x1];
	p0 =	sne.s32 s2, $0x0  }
0x28: {  	s3 =	rddreg [dreg:$0x2];
	[bflag:$0x3] =	sbarrier.arrive $0xFFFF;
	s2 =	simm.s32 @!p0 $0x1C02  }
0x29: {  	[timem:s3], [sflag:s2] =	dma.local @!p0 [hbm:s0], s1  }
0x2a: {  	s0 =	simm.s32 @!p0 $0x2  }
0x2b: {  	_ =	swait.ge @!p0 [sflag:s0], s1  }
0x2c: {  	s1 =	ssub.s32 @!p0 $0x0, s1;
	[sflag:s0] =	ssyncset.done @!p0 $0x0  }
0x2d: {  	[sflag:s0] =	ssyncadd.s32 @!p0 s1  }
0x2e: {  	[bflag:$0x3] =	sbarrier.arrive $0xFFFF  }
0x2f: {  	_ =	shalt  }

</sc_bundles>
